<compile_context>
chip_gen: v7x
topology: tpu7x:2x2x1
jax: 0.10.2.dev20260603
libtpu: 0.0.44.dev20260713+nightly
codegen_flags: <defaults>
</compile_context>

<pallas_src>
import functools

import jax
import jax.numpy as jnp
from jax import lax
from jax.experimental import pallas as pl
from jax.experimental.pallas import tpu as pltpu
from jax.experimental.pallas import tpu_sc as plsc

VOCAB = 1000
VPAD = 1024
BATCH = 1024
SEQ = 200
NUM_WORKERS = 32
BB = 128
VB = 128
KBLOCKS = VPAD // VB
N_BLOCKS = SEQ * (BATCH // BB)
BLOCKS_PER_W = N_BLOCKS // NUM_WORKERS
UNITS_PER_W = BLOCKS_PER_W * KBLOCKS
LAST_ROWS = VOCAB - 7 * VB


def _emb_body(xt_hbm, tabr_hbm, out_hbm, idxb, idxv, g0, g1, t0, t1,
              isem, gsem, wsem):
    wid = lax.axis_index("s") * 2 + lax.axis_index("c")
    lanes = lax.iota(jnp.int32, 16)
    g16 = [16 * g + lanes for g in range(8)]

    def unit_ids(u):
        blk = wid * BLOCKS_PER_W + u // KBLOCKS
        return blk // 8, blk % 8, u % KBLOCKS

    def prep_idx(u):
        s, bt, _ = unit_ids(u)
        pltpu.sync_copy(xt_hbm.at[pl.ds(s * BATCH + bt * BB, BB)], idxb)
        for g in range(8):
            vg = idxb[pl.ds(16 * g, 16)]
            for k in range(KBLOCKS):
                idxv[k, pl.ds(16 * g, 16)] = vg + 1000 * k

    def gather(u, gbuf):
        _, _, k = unit_ids(u)
        pltpu.async_copy(tabr_hbm.at[idxv.at[k]], gbuf, gsem)

    def drain_gather(gbuf):
        pltpu.make_async_copy(tabr_hbm.at[pl.ds(0, BB)], gbuf, gsem).wait()

    def transpose(gbuf, tbuf):
        def vrow(v, carry):
            colv = jnp.full((16,), v, jnp.int32)
            for g in range(8):
                tbuf[v, pl.ds(16 * g, 16)] = plsc.load_gather(
                    gbuf, [g16[g], colv])
            return carry

        lax.fori_loop(0, VB, vrow, 0)

    def write(u, tbuf):
        s, bt, k = unit_ids(u)

        @pl.when(k < KBLOCKS - 1)
        def _():
            pltpu.async_copy(
                tbuf, out_hbm.at[s, pl.ds(k * VB, VB), pl.ds(bt * BB, BB)],
                wsem)

        @pl.when(k == KBLOCKS - 1)
        def _():
            pltpu.async_copy(
                tbuf.at[pl.ds(0, LAST_ROWS)],
                out_hbm.at[s, pl.ds(7 * VB, LAST_ROWS), pl.ds(bt * BB, BB)],
                wsem)

    def wait_write(u):
        _, _, k = unit_ids(u)

        @pl.when(k < KBLOCKS - 1)
        def _():
            pltpu.make_async_copy(
                tabr_hbm.at[pl.ds(0, VB)], t0, wsem).wait()

        @pl.when(k == KBLOCKS - 1)
        def _():
            pltpu.make_async_copy(
                tabr_hbm.at[pl.ds(0, LAST_ROWS)],
                t0.at[pl.ds(0, LAST_ROWS)], wsem).wait()

    prep_idx(0)
    gather(0, g0)

    def body(t, carry):
        u0 = 2 * t
        gather(u0 + 1, g1)
        drain_gather(g0)
        transpose(g0, t0)
        write(u0, t0)
        drain_gather(g1)
        transpose(g1, t1)
        write(u0 + 1, t1)
        wait_write(u0)

        @pl.when(jnp.logical_and((u0 + 2) % KBLOCKS == 0,
                                 t + 1 < UNITS_PER_W // 2))
        def _():
            prep_idx(u0 + 2)

        @pl.when(t + 1 < UNITS_PER_W // 2)
        def _():
            gather(u0 + 2, g0)

        wait_write(u0 + 1)
        return carry

    lax.fori_loop(0, UNITS_PER_W // 2, body, 0)


@jax.jit
def _emb_call(xt_flat, tabr):
    mesh = plsc.VectorSubcoreMesh(core_axis_name="c", subcore_axis_name="s")
    f = functools.partial(
        pl.kernel,
        mesh=mesh,
        out_type=jax.ShapeDtypeStruct((SEQ, VOCAB, BATCH), jnp.float32),
        scratch_types=[
            pltpu.VMEM((BB,), jnp.int32),
            pltpu.VMEM((KBLOCKS, BB), jnp.int32),
            pltpu.VMEM((BB, VB), jnp.float32),
            pltpu.VMEM((BB, VB), jnp.float32),
            pltpu.VMEM((VB, BB), jnp.float32),
            pltpu.VMEM((VB, BB), jnp.float32),
            pltpu.SemaphoreType.DMA,
            pltpu.SemaphoreType.DMA,
            pltpu.SemaphoreType.DMA,
        ],
        compiler_params=pltpu.CompilerParams(needs_layout_passes=False),
    )(_emb_body)
    return f(xt_flat, tabr)


def kernel(x, table):
    xt_flat = x.T.reshape(SEQ * BATCH).astype(jnp.int32)
    tp = jnp.pad(table, ((0, 0), (0, VPAD - VOCAB)))
    tabr = tp.reshape(VOCAB, KBLOCKS, VB).transpose(1, 0, 2).reshape(
        KBLOCKS * VOCAB, VB)
    out_t = _emb_call(xt_flat, tabr)
    return jnp.transpose(out_t, (2, 0, 1))

# --- scband reference (transcript-rebuilt; emitter-appended) ---
"""Pipeline reference for scband-bigram-language-model-48404281426419 (READ-ONLY COPY).

The authoritative reference and input builder live on the scoring server;
editing this copy changes nothing except your own understanding.
"""

import jax, jax.numpy as jnp
import numpy as np

VOCAB = 1000
BATCH = 1024
SEQ = 200

def setup_inputs(seed: int = 0) -> dict:
    key = jax.random.key(seed)
    k_idx, k_tab = jax.random.split(key)
    x = jax.random.randint(k_idx, (BATCH, SEQ), 0, VOCAB, dtype=jnp.int64 if jax.config.read('jax_enable_x64') else jnp.int32)
    # Embedding table: num_embeddings=vocab, features=vocab (nnx.Embed default init ~ normal(stddev=1))
    table = jax.random.normal(k_tab, (VOCAB, VOCAB), dtype=jnp.float32) * 0.02
    return {"x": x, "table": table}

def reference(x, table):
    # BigramLanguageModel.__call__: logits = embedding_table(x)
    logits = jnp.take(table, x, axis=0)
    return logits

if __name__ == "__main__":
    import jax
    _d = setup_inputs()
    print(jax.jit(kernel)(*tuple(_d.values())))

</pallas_src>

<mosaic_0001>
#map = affine_map<(d0, d1) -> (0)>
#map1 = affine_map<(d0, d1) -> (0, 0)>
#map2 = affine_map<(d0, d1) -> (0, 0, 0)>
module attributes {stable_mosaic.version = 14 : i64} {
  func.func @_emb_body(%arg0: i32, %arg1: i32, %arg2: memref<204800xi32, #tpu.memory_space<hbm>>, %arg3: memref<8000x128xf32, #tpu.memory_space<hbm>>, %arg4: memref<200x1000x1024xf32, #tpu.memory_space<hbm>>, %arg5: memref<128xi32, #tpu.memory_space<vmem>>, %arg6: memref<8x128xi32, #tpu.memory_space<vmem>>, %arg7: memref<128x128xf32, #tpu.memory_space<vmem>>, %arg8: memref<128x128xf32, #tpu.memory_space<vmem>>, %arg9: memref<128x128xf32, #tpu.memory_space<vmem>>, %arg10: memref<128x128xf32, #tpu.memory_space<vmem>>, %arg11: memref<!tpu.dma_semaphore, #tpu.memory_space<semaphore_mem>>, %arg12: memref<!tpu.dma_semaphore, #tpu.memory_space<semaphore_mem>>, %arg13: memref<!tpu.dma_semaphore, #tpu.memory_space<semaphore_mem>>) attributes {dimension_semantics = [#tpu.dimension_semantics<core_parallel>, #tpu.dimension_semantics<subcore_parallel>], iteration_bounds = array<i64: 2, 16>, scalar_prefetch = 0 : i64, scratch_operands = 9 : i64, tpu.core_type = #tpu.core_type<sc_vector_subcore>, window_params = [{transform_indices = #map}, {transform_indices = #map1}, {transform_indices = #map2}]} {
    %mul3A = arith.constant 2 : i32
    %mul3A_0 = arith.muli %arg1, %mul3A : i32
    %add3A = arith.addi %mul3A_0, %arg0 : i32
    %iota3A = tpu.iota {dimensions = array<i32: 0>} : vector<16xi32>
    %add3A_1 = arith.constant 0 : i32
    %add3A_2 = vector.broadcast %add3A_1 : i32 to vector<16xi32>
    %add3A_3 = arith.addi %add3A_2, %iota3A : vector<16xi32>
    %add3A_4 = arith.constant 16 : i32
    %add3A_5 = vector.broadcast %add3A_4 : i32 to vector<16xi32>
    %add3A_6 = arith.addi %add3A_5, %iota3A : vector<16xi32>
    %add3A_7 = arith.constant 32 : i32
    %add3A_8 = vector.broadcast %add3A_7 : i32 to vector<16xi32>
    %add3A_9 = arith.addi %add3A_8, %iota3A : vector<16xi32>
    %add3A_10 = arith.constant 48 : i32
    %add3A_11 = vector.broadcast %add3A_10 : i32 to vector<16xi32>
    %add3A_12 = arith.addi %add3A_11, %iota3A : vector<16xi32>
    %add3A_13 = arith.constant 64 : i32
    %add3A_14 = vector.broadcast %add3A_13 : i32 to vector<16xi32>
    %add3A_15 = arith.addi %add3A_14, %iota3A : vector<16xi32>
    %add3A_16 = arith.constant 80 : i32
    %add3A_17 = vector.broadcast %add3A_16 : i32 to vector<16xi32>
    %add3A_18 = arith.addi %add3A_17, %iota3A : vector<16xi32>
    %add3A_19 = arith.constant 96 : i32
    %add3A_20 = vector.broadcast %add3A_19 : i32 to vector<16xi32>
    %add3A_21 = arith.addi %add3A_20, %iota3A : vector<16xi32>
    %add3A_22 = arith.constant 112 : i32
    %add3A_23 = vector.broadcast %add3A_22 : i32 to vector<16xi32>
    %add3A_24 = arith.addi %add3A_23, %iota3A : vector<16xi32>
    %mul3A_25 = arith.constant 50 : i32
    %mul3A_26 = arith.muli %add3A, %mul3A_25 : i32
    %add3A_27 = arith.constant 0 : i32
    %add3A_28 = arith.addi %mul3A_26, %add3A_27 : i32
    %jit3A = arith.constant 8 : i32
    %div3A = arith.divsi %add3A_28, %jit3A : i32
    %sign3A = arith.constant 0 : i32
    %sign3A_29 = arith.cmpi sgt, %add3A_28, %sign3A : i32
    %sign3A_30 = arith.extui %sign3A_29 : i1 to i32
    %sign3A_31 = arith.constant 0 : i32
    %sign3A_32 = arith.cmpi slt, %add3A_28, %sign3A_31 : i32
    %sign3A_33 = arith.extui %sign3A_32 : i1 to i32
    %sign3A_34 = arith.subi %sign3A_30, %sign3A_33 : i32
    %sign3A_35 = arith.constant 0 : i32
    %sign3A_36 = arith.cmpi sgt, %jit3A, %sign3A_35 : i32
    %sign3A_37 = arith.extui %sign3A_36 : i1 to i32
    %sign3A_38 = arith.constant 0 : i32
    %sign3A_39 = arith.cmpi slt, %jit3A, %sign3A_38 : i32
    %sign3A_40 = arith.extui %sign3A_39 : i1 to i32
    %sign3A_41 = arith.subi %sign3A_37, %sign3A_40 : i32
    %ne3A = arith.cmpi ne, %sign3A_34, %sign3A_41 : i32
    %rem3A = arith.remsi %add3A_28, %jit3A : i32
    %ne3A_42 = arith.constant 0 : i32
    %ne3A_43 = arith.cmpi ne, %rem3A, %ne3A_42 : i32
    %and3A = arith.andi %ne3A, %ne3A_43 : i1
    %sub3A = arith.constant 1 : i32
    %sub3A_44 = arith.subi %div3A, %sub3A : i32
    %select_n3A = arith.select %and3A, %sub3A_44, %div3A : i32
    %jit3A_45 = arith.constant 8 : i32
    %eq3A = arith.constant 0 : i32
    %eq3A_46 = arith.cmpi eq, %jit3A_45, %eq3A : i32
    %jit3A_47 = arith.constant 1 : i32
    %select_n3A_48 = arith.select %eq3A_46, %jit3A_47, %jit3A_45 : i32
    %rem3A_49 = arith.remsi %add3A_28, %select_n3A_48 : i32
    %ne3A_50 = arith.constant 0 : i32
    %ne3A_51 = arith.cmpi ne, %rem3A_49, %ne3A_50 : i32
    %lt3A = arith.constant 0 : i32
    %lt3A_52 = arith.cmpi slt, %rem3A_49, %lt3A : i32
    %lt3A_53 = arith.constant 0 : i32
    %lt3A_54 = arith.cmpi slt, %select_n3A_48, %lt3A_53 : i32
    %ne3A_55 = arith.xori %lt3A_52, %lt3A_54 : i1
    %and3A_56 = arith.andi %ne3A_55, %ne3A_51 : i1
    %add3A_57 = arith.addi %rem3A_49, %select_n3A_48 : i32
    %select_n3A_58 = arith.select %and3A_56, %add3A_57, %rem3A_49 : i32
    %mul3A_59 = arith.constant 1024 : i32
    %mul3A_60 = arith.muli %select_n3A, %mul3A_59 : i32
    %mul3A_61 = arith.constant 128 : i32
    %mul3A_62 = arith.muli %select_n3A_58, %mul3A_61 : i32
    %add3A_63 = arith.addi %mul3A_60, %mul3A_62 : i32
    "tpu.region"() ({
      %run_scoped3A = tpu.sem_alloc : memref<!tpu.dma_semaphore, #tpu.memory_space<semaphore_mem>>
      %dma_start3A_581 = tpu.memref_slice %arg2[%add3A_63] : memref<204800xi32, #tpu.memory_space<hbm>> -> memref<128xi32, #tpu.memory_space<hbm>>
      %dma_start3A_582 = tpu.memref_slice %arg2[%add3A_63] : memref<204800xi32, #tpu.memory_space<hbm>> -> memref<128xi32, #tpu.memory_space<hbm>>
      tpu.enqueue_dma source(%dma_start3A_582 : memref<128xi32, #tpu.memory_space<hbm>>) target(%arg5 : memref<128xi32, #tpu.memory_space<vmem>>) target_semaphore(%run_scoped3A : memref<!tpu.dma_semaphore, #tpu.memory_space<semaphore_mem>>)
      %dma_wait3A = tpu.memref_slice %arg2[%add3A_63] : memref<204800xi32, #tpu.memory_space<hbm>> -> memref<128xi32, #tpu.memory_space<hbm>>
      %dma_wait3A_583 = tpu.memref_slice %arg2[%add3A_63] : memref<204800xi32, #tpu.memory_space<hbm>> -> memref<128xi32, #tpu.memory_space<hbm>>
      tpu.wait_dma2 semaphore(%run_scoped3A : memref<!tpu.dma_semaphore, #tpu.memory_space<semaphore_mem>>) src(%dma_wait3A_583 : memref<128xi32, #tpu.memory_space<hbm>>) dst(%arg5 : memref<128xi32, #tpu.memory_space<vmem>>)
      tpu.yield
    }) : () -> ()
    %get3A = arith.constant 0 : index
    %get3A_64 = tpu.vector_load %arg5[%get3A] {strides = array<i32>} : memref<128xi32, #tpu.memory_space<vmem>>, vector<16xi32>,
    %add3A_65 = arith.constant 0 : i32
    %add3A_66 = vector.broadcast %add3A_65 : i32 to vector<16xi32>
    %add3A_67 = arith.addi %get3A_64, %add3A_66 : vector<16xi32>
    %swap3A = arith.constant 0 : i32
    %swap3A_68 = arith.index_cast %swap3A : i32 to index
    %swap3A_69 = arith.constant 0 : index
    %swap3A_70 = tpu.vector_load %arg6[%swap3A_68, %swap3A_69] {strides = array<i32>} : memref<8x128xi32, #tpu.memory_space<vmem>>, vector<16xi32>,
    tpu.vector_store %arg6[%swap3A_68, %swap3A_69], %add3A_67 {strides = array<i32>} : memref<8x128xi32, #tpu.memory_space<vmem>>, vector<16xi32>,
    %add3A_71 = arith.constant 1000 : i32
    %add3A_72 = vector.broadcast %add3A_71 : i32 to vector<16xi32>
    %add3A_73 = arith.addi %get3A_64, %add3A_72 : vector<16xi32>
    %swap3A_74 = arith.constant 1 : i32
    %swap3A_75 = arith.index_cast %swap3A_74 : i32 to index
    %swap3A_76 = arith.constant 0 : index
    %swap3A_77 = tpu.vector_load %arg6[%swap3A_75, %swap3A_76] {strides = array<i32>} : memref<8x128xi32, #tpu.memory_space<vmem>>, vector<16xi32>,
    tpu.vector_store %arg6[%swap3A_75, %swap3A_76], %add3A_73 {strides = array<i32>} : memref<8x128xi32, #tpu.memory_space<vmem>>, vector<16xi32>,
    %add3A_78 = arith.constant 2000 : i32
    %add3A_79 = vector.broadcast %add3A_78 : i32 to vector<16xi32>
    %add3A_80 = arith.addi %get3A_64, %add3A_79 : vector<16xi32>
    %swap3A_81 = arith.constant 2 : i32
    %swap3A_82 = arith.index_cast %swap3A_81 : i32 to index
    %swap3A_83 = arith.constant 0 : index
    %swap3A_84 = tpu.vector_load %arg6[%swap3A_82, %swap3A_83] {strides = array<i32>} : memref<8x128xi32, #tpu.memory_space<vmem>>, vector<16xi32>,
    tpu.vector_store %arg6[%swap3A_82, %swap3A_83], %add3A_80 {strides = array<i32>} : memref<8x128xi32, #tpu.memory_space<vmem>>, vector<16xi32>,
    %add3A_85 = arith.constant 3000 : i32
    %add3A_86 = vector.broadcast %add3A_85 : i32 to vector<16xi32>
    %add3A_87 = arith.addi %get3A_64, %add3A_86 : vector<16xi32>
    %swap3A_88 = arith.constant 3 : i32
    %swap3A_89 = arith.index_cast %swap3A_88 : i32 to index
    %swap3A_90 = arith.constant 0 : index
    %swap3A_91 = tpu.vector_load %arg6[%swap3A_89, %swap3A_90] {strides = array<i32>} : memref<8x128xi32, #tpu.memory_space<vmem>>, vector<16xi32>,
    tpu.vector_store %arg6[%swap3A_89, %swap3A_90], %add3A_87 {strides = array<i32>} : memref<8x128xi32, #tpu.memory_space<vmem>>, vector<16xi32>,
    %add3A_92 = arith.constant 4000 : i32
    %add3A_93 = vector.broadcast %add3A_92 : i32 to vector<16xi32>
    %add3A_94 = arith.addi %get3A_64, %add3A_93 : vector<16xi32>
    %swap3A_95 = arith.constant 4 : i32
    %swap3A_96 = arith.index_cast %swap3A_95 : i32 to index
    %swap3A_97 = arith.constant 0 : index
    %swap3A_98 = tpu.vector_load %arg6[%swap3A_96, %swap3A_97] {strides = array<i32>} : memref<8x128xi32, #tpu.memory_space<vmem>>, vector<16xi32>,
    tpu.vector_store %arg6[%swap3A_96, %swap3A_97], %add3A_94 {strides = array<i32>} : memref<8x128xi32, #tpu.memory_space<vmem>>, vector<16xi32>,
    %add3A_99 = arith.constant 5000 : i32
    %add3A_100 = vector.broadcast %add3A_99 : i32 to vector<16xi32>
    %add3A_101 = arith.addi %get3A_64, %add3A_100 : vector<16xi32>
    %swap3A_102 = arith.constant 5 : i32
    %swap3A_103 = arith.index_cast %swap3A_102 : i32 to index
    %swap3A_104 = arith.constant 0 : index
    %swap3A_105 = tpu.vector_load %arg6[%swap3A_103, %swap3A_104] {strides = array<i32>} : memref<8x128xi32, #tpu.memory_space<vmem>>, vector<16xi32>,
    tpu.vector_store %arg6[%swap3A_103, %swap3A_104], %add3A_101 {strides = array<i32>} : memref<8x128xi32, #tpu.memory_space<vmem>>, vector<16xi32>,
    %add3A_106 = arith.constant 6000 : i32
    %add3A_107 = vector.broadcast %add3A_106 : i32 to vector<16xi32>
    %add3A_108 = arith.addi %get3A_64, %add3A_107 : vector<16xi32>
    %swap3A_109 = arith.constant 6 : i32
    %swap3A_110 = arith.index_cast %swap3A_109 : i32 to index
    %swap3A_111 = arith.constant 0 : index
    %swap3A_112 = tpu.vector_load %arg6[%swap3A_110, %swap3A_111] {strides = array<i32>} : memref<8x128xi32, #tpu.memory_space<vmem>>, vector<16xi32>,
    tpu.vector_store %arg6[%swap3A_110, %swap3A_111], %add3A_108 {strides = array<i32>} : memref<8x128xi32, #tpu.memory_space<vmem>>, vector<16xi32>,
    %add3A_113 = arith.constant 7000 : i32
    %add3A_114 = vector.broadcast %add3A_113 : i32 to vector<16xi32>
    %add3A_115 = arith.addi %get3A_64, %add3A_114 : vector<16xi32>
    %swap3A_116 = arith.constant 7 : i32
    %swap3A_117 = arith.index_cast %swap3A_116 : i32 to index
    %swap3A_118 = arith.constant 0 : index
    %swap3A_119 = tpu.vector_load %arg6[%swap3A_117, %swap3A_118] {strides = array<i32>} : memref<8x128xi32, #tpu.memory_space<vmem>>, vector<16xi32>,
    tpu.vector_store %arg6[%swap3A_117, %swap3A_118], %add3A_115 {strides = array<i32>} : memref<8x128xi32, #tpu.memory_space<vmem>>, vector<16xi32>,
    %get3A_120 = arith.constant 16 : index
    %get3A_121 = tpu.vector_load %arg5[%get3A_120] {strides = array<i32>} : memref<128xi32, #tpu.memory_space<vmem>>, vector<16xi32>,
    %add3A_122 = arith.constant 0 : i32
    %add3A_123 = vector.broadcast %add3A_122 : i32 to vector<16xi32>
    %add3A_124 = arith.addi %get3A_121, %add3A_123 : vector<16xi32>
    %swap3A_125 = arith.constant 0 : i32
    %swap3A_126 = arith.index_cast %swap3A_125 : i32 to index
    %swap3A_127 = arith.constant 16 : index
    %swap3A_128 = tpu.vector_load %arg6[%swap3A_126, %swap3A_127] {strides = array<i32>} : memref<8x128xi32, #tpu.memory_space<vmem>>, vector<16xi32>,
    tpu.vector_store %arg6[%swap3A_126, %swap3A_127], %add3A_124 {strides = array<i32>} : memref<8x128xi32, #tpu.memory_space<vmem>>, vector<16xi32>,
    %add3A_129 = arith.constant 1000 : i32
    %add3A_130 = vector.broadcast %add3A_129 : i32 to vector<16xi32>
    %add3A_131 = arith.addi %get3A_121, %add3A_130 : vector<16xi32>
    %swap3A_132 = arith.constant 1 : i32
    %swap3A_133 = arith.index_cast %swap3A_132 : i32 to index
    %swap3A_134 = arith.constant 16 : index
    %swap3A_135 = tpu.vector_load %arg6[%swap3A_133, %swap3A_134] {strides = array<i32>} : memref<8x128xi32, #tpu.memory_space<vmem>>, vector<16xi32>,
    tpu.vector_store %arg6[%swap3A_133, %swap3A_134], %add3A_131 {strides = array<i32>} : memref<8x128xi32, #tpu.memory_space<vmem>>, vector<16xi32>,
    %add3A_136 = arith.constant 2000 : i32
    %add3A_137 = vector.broadcast %add3A_136 : i32 to vector<16xi32>
    %add3A_138 = arith.addi %get3A_121, %add3A_137 : vector<16xi32>
    %swap3A_139 = arith.constant 2 : i32
    %swap3A_140 = arith.index_cast %swap3A_139 : i32 to index
    %swap3A_141 = arith.constant 16 : index
    %swap3A_142 = tpu.vector_load %arg6[%swap3A_140, %swap3A_141] {strides = array<i32>} : memref<8x128xi32, #tpu.memory_space<vmem>>, vector<16xi32>,
    tpu.vector_store %arg6[%swap3A_140, %swap3A_141], %add3A_138 {strides = array<i32>} : memref<8x128xi32, #tpu.memory_space<vmem>>, vector<16xi32>,
    %add3A_143 = arith.constant 3000 : i32
    %add3A_144 = vector.broadcast %add3A_143 : i32 to vector<16xi32>
    %add3A_145 = arith.addi %get3A_121, %add3A_144 : vector<16xi32>
    %swap3A_146 = arith.constant 3 : i32
    %swap3A_147 = arith.index_cast %swap3A_146 : i32 to index
    %swap3A_148 = arith.constant 16 : index
    %swap3A_149 = tpu.vector_load %arg6[%swap3A_147, %swap3A_148] {strides = array<i32>} : memref<8x128xi32, #tpu.memory_space<vmem>>, vector<16xi32>,
    tpu.vector_store %arg6[%swap3A_147, %swap3A_148], %add3A_145 {strides = array<i32>} : memref<8x128xi32, #tpu.memory_space<vmem>>, vector<16xi32>,
    %add3A_150 = arith.constant 4000 : i32
    %add3A_151 = vector.broadcast %add3A_150 : i32 to vector<16xi32>
    %add3A_152 = arith.addi %get3A_121, %add3A_151 : vector<16xi32>
    %swap3A_153 = arith.constant 4 : i32
    %swap3A_154 = arith.index_cast %swap3A_153 : i32 to index
    %swap3A_155 = arith.constant 16 : index
    %swap3A_156 = tpu.vector_load %arg6[%swap3A_154, %swap3A_155] {strides = array<i32>} : memref<8x128xi32, #tpu.memory_space<vmem>>, vector<16xi32>,
    tpu.vector_store %arg6[%swap3A_154, %swap3A_155], %add3A_152 {strides = array<i32>} : memref<8x128xi32, #tpu.memory_space<vmem>>, vector<16xi32>,
    %add3A_157 = arith.constant 5000 : i32
    %add3A_158 = vector.broadcast %add3A_157 : i32 to vector<16xi32>
    %add3A_159 = arith.addi %get3A_121, %add3A_158 : vector<16xi32>
    %swap3A_160 = arith.constant 5 : i32
    %swap3A_161 = arith.index_cast %swap3A_160 : i32 to index
    %swap3A_162 = arith.constant 16 : index
    %swap3A_163 = tpu.vector_load %arg6[%swap3A_161, %swap3A_162] {strides = array<i32>} : memref<8x128xi32, #tpu.memory_space<vmem>>, vector<16xi32>,
    tpu.vector_store %arg6[%swap3A_161, %swap3A_162], %add3A_159 {strides = array<i32>} : memref<8x128xi32, #tpu.memory_space<vmem>>, vector<16xi32>,
    %add3A_164 = arith.constant 6000 : i32
    %add3A_165 = vector.broadcast %add3A_164 : i32 to vector<16xi32>
    %add3A_166 = arith.addi %get3A_121, %add3A_165 : vector<16xi32>
    %swap3A_167 = arith.constant 6 : i32
    %swap3A_168 = arith.index_cast %swap3A_167 : i32 to index
    %swap3A_169 = arith.constant 16 : index
    %swap3A_170 = tpu.vector_load %arg6[%swap3A_168, %swap3A_169] {strides = array<i32>} : memref<8x128xi32, #tpu.memory_space<vmem>>, vector<16xi32>,
    tpu.vector_store %arg6[%swap3A_168, %swap3A_169], %add3A_166 {strides = array<i32>} : memref<8x128xi32, #tpu.memory_space<vmem>>, vector<16xi32>,
    %add3A_171 = arith.constant 7000 : i32
    %add3A_172 = vector.broadcast %add3A_171 : i32 to vector<16xi32>
    %add3A_173 = arith.addi %get3A_121, %add3A_172 : vector<16xi32>
    %swap3A_174 = arith.constant 7 : i32
    %swap3A_175 = arith.index_cast %swap3A_174 : i32 to index
    %swap3A_176 = arith.constant 16 : index
    %swap3A_177 = tpu.vector_load %arg6[%swap3A_175, %swap3A_176] {strides = array<i32>} : memref<8x128xi32, #tpu.memory_space<vmem>>, vector<16xi32>,
    tpu.vector_store %arg6[%swap3A_175, %swap3A_176], %add3A_173 {strides = array<i32>} : memref<8x128xi32, #tpu.memory_space<vmem>>, vector<16xi32>,
    %get3A_178 = arith.constant 32 : index
    %get3A_179 = tpu.vector_load %arg5[%get3A_178] {strides = array<i32>} : memref<128xi32, #tpu.memory_space<vmem>>, vector<16xi32>,
    %add3A_180 = arith.constant 0 : i32
    %add3A_181 = vector.broadcast %add3A_180 : i32 to vector<16xi32>
    %add3A_182 = arith.addi %get3A_179, %add3A_181 : vector<16xi32>
    %swap3A_183 = arith.constant 0 : i32
    %swap3A_184 = arith.index_cast %swap3A_183 : i32 to index
    %swap3A_185 = arith.constant 32 : index
    %swap3A_186 = tpu.vector_load %arg6[%swap3A_184, %swap3A_185] {strides = array<i32>} : memref<8x128xi32, #tpu.memory_space<vmem>>, vector<16xi32>,
    tpu.vector_store %arg6[%swap3A_184, %swap3A_185], %add3A_182 {strides = array<i32>} : memref<8x128xi32, #tpu.memory_space<vmem>>, vector<16xi32>,
    %add3A_187 = arith.constant 1000 : i32
    %add3A_188 = vector.broadcast %add3A_187 : i32 to vector<16xi32>
    %add3A_189 = arith.addi %get3A_179, %add3A_188 : vector<16xi32>
    %swap3A_190 = arith.constant 1 : i32
    %swap3A_191 = arith.index_cast %swap3A_190 : i32 to index
    %swap3A_192 = arith.constant 32 : index
    %swap3A_193 = tpu.vector_load %arg6[%swap3A_191, %swap3A_192] {strides = array<i32>} : memref<8x128xi32, #tpu.memory_space<vmem>>, vector<16xi32>,
    tpu.vector_store %arg6[%swap3A_191, %swap3A_192], %add3A_189 {strides = array<i32>} : memref<8x128xi32, #tpu.memory_space<vmem>>, vector<16xi32>,
    %add3A_194 = arith.constant 2000 : i32
    %add3A_195 = vector.broadcast %add3A_194 : i32 to vector<16xi32>
    %add3A_196 = arith.addi %get3A_179, %add3A_195 : vector<16xi32>
    %swap3A_197 = arith.constant 2 : i32
    %swap3A_198 = arith.index_cast %swap3A_197 : i32 to index
    %swap3A_199 = arith.constant 32 : index
    %swap3A_200 = tpu.vector_load %arg6[%swap3A_198, %swap3A_199] {strides = array<i32>} : memref<8x128xi32, #tpu.memory_space<vmem>>, vector<16xi32>,
    tpu.vector_store %arg6[%swap3A_198, %swap3A_199], %add3A_196 {strides = array<i32>} : memref<8x128xi32, #tpu.memory_space<vmem>>, vector<16xi32>,
    %add3A_201 = arith.constant 3000 : i32
    %add3A_202 = vector.broadcast %add3A_201 : i32 to vector<16xi32>
    %add3A_203 = arith.addi %get3A_179, %add3A_202 : vector<16xi32>
    %swap3A_204 = arith.constant 3 : i32
    %swap3A_205 = arith.index_cast %swap3A_204 : i32 to index
    %swap3A_206 = arith.constant 32 : index
    %swap3A_207 = tpu.vector_load %arg6[%swap3A_205, %swap3A_206] {strides = array<i32>} : memref<8x128xi32, #tpu.memory_space<vmem>>, vector<16xi32>,
    tpu.vector_store %arg6[%swap3A_205, %swap3A_206], %add3A_203 {strides = array<i32>} : memref<8x128xi32, #tpu.memory_space<vmem>>, vector<16xi32>,
    %add3A_208 = arith.constant 4000 : i32
    %add3A_209 = vector.broadcast %add3A_208 : i32 to vector<16xi32>
    %add3A_210 = arith.addi %get3A_179, %add3A_209 : vector<16xi32>
    %swap3A_211 = arith.constant 4 : i32
    %swap3A_212 = arith.index_cast %swap3A_211 : i32 to index
    %swap3A_213 = arith.constant 32 : index
    %swap3A_214 = tpu.vector_load %arg6[%swap3A_212, %swap3A_213] {strides = array<i32>} : memref<8x128xi32, #tpu.memory_space<vmem>>, vector<16xi32>,
    tpu.vector_store %arg6[%swap3A_212, %swap3A_213], %add3A_210 {strides = array<i32>} : memref<8x128xi32, #tpu.memory_space<vmem>>, vector<16xi32>,
    %add3A_215 = arith.constant 5000 : i32
    %add3A_216 = vector.broadcast %add3A_215 : i32 to vector<16xi32>
    %add3A_217 = arith.addi %get3A_179, %add3A_216 : vector<16xi32>
    %swap3A_218 = arith.constant 5 : i32
    %swap3A_219 = arith.index_cast %swap3A_218 : i32 to index
    %swap3A_220 = arith.constant 32 : index
    %swap3A_221 = tpu.vector_load %arg6[%swap3A_219, %swap3A_220] {strides = array<i32>} : memref<8x128xi32, #tpu.memory_space<vmem>>, vector<16xi32>,
    tpu.vector_store %arg6[%swap3A_219, %swap3A_220], %add3A_217 {strides = array<i32>} : memref<8x128xi32, #tpu.memory_space<vmem>>, vector<16xi32>,
    %add3A_222 = arith.constant 6000 : i32
    %add3A_223 = vector.broadcast %add3A_222 : i32 to vector<16xi32>
    %add3A_224 = arith.addi %get3A_179, %add3A_223 : vector<16xi32>
    %swap3A_225 = arith.constant 6 : i32
    %swap3A_226 = arith.index_cast %swap3A_225 : i32 to index
    %swap3A_227 = arith.constant 32 : index
    %swap3A_228 = tpu.vector_load %arg6[%swap3A_226, %swap3A_227] {strides = array<i32>} : memref<8x128xi32, #tpu.memory_space<vmem>>, vector<16xi32>,
    tpu.vector_store %arg6[%swap3A_226, %swap3A_227], %add3A_224 {strides = array<i32>} : memref<8x128xi32, #tpu.memory_space<vmem>>, vector<16xi32>,
    %add3A_229 = arith.constant 7000 : i32
    %add3A_230 = vector.broadcast %add3A_229 : i32 to vector<16xi32>
    %add3A_231 = arith.addi %get3A_179, %add3A_230 : vector<16xi32>
    %swap3A_232 = arith.constant 7 : i32
    %swap3A_233 = arith.index_cast %swap3A_232 : i32 to index
    %swap3A_234 = arith.constant 32 : index
    %swap3A_235 = tpu.vector_load %arg6[%swap3A_233, %swap3A_234] {strides = array<i32>} : memref<8x128xi32, #tpu.memory_space<vmem>>, vector<16xi32>,
    tpu.vector_store %arg6[%swap3A_233, %swap3A_234], %add3A_231 {strides = array<i32>} : memref<8x128xi32, #tpu.memory_space<vmem>>, vector<16xi32>,
    %get3A_236 = arith.constant 48 : index
    %get3A_237 = tpu.vector_load %arg5[%get3A_236] {strides = array<i32>} : memref<128xi32, #tpu.memory_space<vmem>>, vector<16xi32>,
    %add3A_238 = arith.constant 0 : i32
    %add3A_239 = vector.broadcast %add3A_238 : i32 to vector<16xi32>
    %add3A_240 = arith.addi %get3A_237, %add3A_239 : vector<16xi32>
    %swap3A_241 = arith.constant 0 : i32
    %swap3A_242 = arith.index_cast %swap3A_241 : i32 to index
    %swap3A_243 = arith.constant 48 : index
    %swap3A_244 = tpu.vector_load %arg6[%swap3A_242, %swap3A_243] {strides = array<i32>} : memref<8x128xi32, #tpu.memory_space<vmem>>, vector<16xi32>,
    tpu.vector_store %arg6[%swap3A_242, %swap3A_243], %add3A_240 {strides = array<i32>} : memref<8x128xi32, #tpu.memory_space<vmem>>, vector<16xi32>,
    %add3A_245 = arith.constant 1000 : i32
    %add3A_246 = vector.broadcast %add3A_245 : i32 to vector<16xi32>
    %add3A_247 = arith.addi %get3A_237, %add3A_246 : vector<16xi32>
    %swap3A_248 = arith.constant 1 : i32
    %swap3A_249 = arith.index_cast %swap3A_248 : i32 to index
    %swap3A_250 = arith.constant 48 : index
    %swap3A_251 = tpu.vector_load %arg6[%swap3A_249, %swap3A_250] {strides = array<i32>} : memref<8x128xi32, #tpu.memory_space<vmem>>, vector<16xi32>,
    tpu.vector_store %arg6[%swap3A_249, %swap3A_250], %add3A_247 {strides = array<i32>} : memref<8x128xi32, #tpu.memory_space<vmem>>, vector<16xi32>,
    %add3A_252 = arith.constant 2000 : i32
    %add3A_253 = vector.broadcast %add3A_252 : i32 to vector<16xi32>
    %add3A_254 = arith.addi %get3A_237, %add3A_253 : vector<16xi32>
    %swap3A_255 = arith.constant 2 : i32
    %swap3A_256 = arith.index_cast %swap3A_255 : i32 to index
    %swap3A_257 = arith.constant 48 : index
    %swap3A_258 = tpu.vector_load %arg6[%swap3A_256, %swap3A_257] {strides = array<i32>} : memref<8x128xi32, #tpu.memory_space<vmem>>, vector<16xi32>,
    tpu.vector_store %arg6[%swap3A_256, %swap3A_257], %add3A_254 {strides = array<i32>} : memref<8x128xi32, #tpu.memory_space<vmem>>, vector<16xi32>,
    %add3A_259 = arith.constant 3000 : i32
    %add3A_260 = vector.broadcast %add3A_259 : i32 to vector<16xi32>
    %add3A_261 = arith.addi %get3A_237, %add3A_260 : vector<16xi32>
    %swap3A_262 = arith.constant 3 : i32
    %swap3A_263 = arith.index_cast %swap3A_262 : i32 to index
    %swap3A_264 = arith.constant 48 : index
    %swap3A_265 = tpu.vector_load %arg6[%swap3A_263, %swap3A_264] {strides = array<i32>} : memref<8x128xi32, #tpu.memory_space<vmem>>, vector<16xi32>,
    tpu.vector_store %arg6[%swap3A_263, %swap3A_264], %add3A_261 {strides = array<i32>} : memref<8x128xi32, #tpu.memory_space<vmem>>, vector<16xi32>,
    %add3A_266 = arith.constant 4000 : i32
    %add3A_267 = vector.broadcast %add3A_266 : i32 to vector<16xi32>
    %add3A_268 = arith.addi %get3A_237, %add3A_267 : vector<16xi32>
    %swap3A_269 = arith.constant 4 : i32
    %swap3A_270 = arith.index_cast %swap3A_269 : i32 to index
    %swap3A_271 = arith.constant 48 : index
    %swap3A_272 = tpu.vector_load %arg6[%swap3A_270, %swap3A_271] {strides = array<i32>} : memref<8x128xi32, #tpu.memory_space<vmem>>, vector<16xi32>,
    tpu.vector_store %arg6[%swap3A_270, %swap3A_271], %add3A_268 {strides = array<i32>} : memref<8x128xi32, #tpu.memory_space<vmem>>, vector<16xi32>,
    %add3A_273 = arith.constant 5000 : i32
    %add3A_274 = vector.broadcast %add3A_273 : i32 to vector<16xi32>
    %add3A_275 = arith.addi %get3A_237, %add3A_274 : vector<16xi32>
    %swap3A_276 = arith.constant 5 : i32
    %swap3A_277 = arith.index_cast %swap3A_276 : i32 to index
    %swap3A_278 = arith.constant 48 : index
    %swap3A_279 = tpu.vector_load %arg6[%swap3A_277, %swap3A_278] {strides = array<i32>} : memref<8x128xi32, #tpu.memory_space<vmem>>, vector<16xi32>,
    tpu.vector_store %arg6[%swap3A_277, %swap3A_278], %add3A_275 {strides = array<i32>} : memref<8x128xi32, #tpu.memory_space<vmem>>, vector<16xi32>,
    %add3A_280 = arith.constant 6000 : i32
    %add3A_281 = vector.broadcast %add3A_280 : i32 to vector<16xi32>
    %add3A_282 = arith.addi %get3A_237, %add3A_281 : vector<16xi32>
    %swap3A_283 = arith.constant 6 : i32
    %swap3A_284 = arith.index_cast %swap3A_283 : i32 to index
    %swap3A_285 = arith.constant 48 : index
    %swap3A_286 = tpu.vector_load %arg6[%swap3A_284, %swap3A_285] {strides = array<i32>} : memref<8x128xi32, #tpu.memory_space<vmem>>, vector<16xi32>,
    tpu.vector_store %arg6[%swap3A_284, %swap3A_285], %add3A_282 {strides = array<i32>} : memref<8x128xi32, #tpu.memory_space<vmem>>, vector<16xi32>,
    %add3A_287 = arith.constant 7000 : i32
    %add3A_288 = vector.broadcast %add3A_287 : i32 to vector<16xi32>
    %add3A_289 = arith.addi %get3A_237, %add3A_288 : vector<16xi32>
    %swap3A_290 = arith.constant 7 : i32
    %swap3A_291 = arith.index_cast %swap3A_290 : i32 to index
    %swap3A_292 = arith.constant 48 : index
    %swap3A_293 = tpu.vector_load %arg6[%swap3A_291, %swap3A_292] {strides = array<i32>} : memref<8x128xi32, #tpu.memory_space<vmem>>, vector<16xi32>,
    tpu.vector_store %arg6[%swap3A_291, %swap3A_292], %add3A_289 {strides = array<i32>} : memref<8x128xi32, #tpu.memory_space<vmem>>, vector<16xi32>,
    %get3A_294 = arith.constant 64 : index
    %get3A_295 = tpu.vector_load %arg5[%get3A_294] {strides = array<i32>} : memref<128xi32, #tpu.memory_space<vmem>>, vector<16xi32>,
    %add3A_296 = arith.constant 0 : i32
    %add3A_297 = vector.broadcast %add3A_296 : i32 to vector<16xi32>
    %add3A_298 = arith.addi %get3A_295, %add3A_297 : vector<16xi32>
    %swap3A_299 = arith.constant 0 : i32
    %swap3A_300 = arith.index_cast %swap3A_299 : i32 to index
    %swap3A_301 = arith.constant 64 : index
    %swap3A_302 = tpu.vector_load %arg6[%swap3A_300, %swap3A_301] {strides = array<i32>} : memref<8x128xi32, #tpu.memory_space<vmem>>, vector<16xi32>,
    tpu.vector_store %arg6[%swap3A_300, %swap3A_301], %add3A_298 {strides = array<i32>} : memref<8x128xi32, #tpu.memory_space<vmem>>, vector<16xi32>,
    %add3A_303 = arith.constant 1000 : i32
    %add3A_304 = vector.broadcast %add3A_303 : i32 to vector<16xi32>
    %add3A_305 = arith.addi %get3A_295, %add3A_304 : vector<16xi32>
    %swap3A_306 = arith.constant 1 : i32
    %swap3A_307 = arith.index_cast %swap3A_306 : i32 to index
    %swap3A_308 = arith.constant 64 : index
    %swap3A_309 = tpu.vector_load %arg6[%swap3A_307, %swap3A_308] {strides = array<i32>} : memref<8x128xi32, #tpu.memory_space<vmem>>, vector<16xi32>,
    tpu.vector_store %arg6[%swap3A_307, %swap3A_308], %add3A_305 {strides = array<i32>} : memref<8x128xi32, #tpu.memory_space<vmem>>, vector<16xi32>,
    %add3A_310 = arith.constant 2000 : i32
    %add3A_311 = vector.broadcast %add3A_310 : i32 to vector<16xi32>
    %add3A_312 = arith.addi %get3A_295, %add3A_311 : vector<16xi32>
    %swap3A_313 = arith.constant 2 : i32
    %swap3A_314 = arith.index_cast %swap3A_313 : i32 to index
    %swap3A_315 = arith.constant 64 : index
    %swap3A_316 = tpu.vector_load %arg6[%swap3A_314, %swap3A_315] {strides = array<i32>} : memref<8x128xi32, #tpu.memory_space<vmem>>, vector<16xi32>,
    tpu.vector_store %arg6[%swap3A_314, %swap3A_315], %add3A_312 {strides = array<i32>} : memref<8x128xi32, #tpu.memory_space<vmem>>, vector<16xi32>,
    %add3A_317 = arith.constant 3000 : i32
    %add3A_318 = vector.broadcast %add3A_317 : i32 to vector<16xi32>
    %add3A_319 = arith.addi %get3A_295, %add3A_318 : vector<16xi32>
    %swap3A_320 = arith.constant 3 : i32
    %swap3A_321 = arith.index_cast %swap3A_320 : i32 to index
    %swap3A_322 = arith.constant 64 : index
    %swap3A_323 = tpu.vector_load %arg6[%swap3A_321, %swap3A_322] {strides = array<i32>} : memref<8x128xi32, #tpu.memory_space<vmem>>, vector<16xi32>,
    tpu.vector_store %arg6[%swap3A_321, %swap3A_322], %add3A_319 {strides = array<i32>} : memref<8x128xi32, #tpu.memory_space<vmem>>, vector<16xi32>,
    %add3A_324 = arith.constant 4000 : i32
    %add3A_325 = vector.broadcast %add3A_324 : i32 to vector<16xi32>
    %add3A_326 = arith.addi %get3A_295, %add3A_325 : vector<16xi32>
    %swap3A_327 = arith.constant 4 : i32
    %swap3A_328 = arith.index_cast %swap3A_327 : i32 to index
    %swap3A_329 = arith.constant 64 : index
    %swap3A_330 = tpu.vector_load %arg6[%swap3A_328, %swap3A_329] {strides = array<i32>} : memref<8x128xi32, #tpu.memory_space<vmem>>, vector<16xi32>,
    tpu.vector_store %arg6[%swap3A_328, %swap3A_329], %add3A_326 {strides = array<i32>} : memref<8x128xi32, #tpu.memory_space<vmem>>, vector<16xi32>,
    %add3A_331 = arith.constant 5000 : i32
    %add3A_332 = vector.broadcast %add3A_331 : i32 to vector<16xi32>
    %add3A_333 = arith.addi %get3A_295, %add3A_332 : vector<16xi32>
    %swap3A_334 = arith.constant 5 : i32
    %swap3A_335 = arith.index_cast %swap3A_334 : i32 to index
    %swap3A_336 = arith.constant 64 : index
    %swap3A_337 = tpu.vector_load %arg6[%swap3A_335, %swap3A_336] {strides = array<i32>} : memref<8x128xi32, #tpu.memory_space<vmem>>, vector<16xi32>,
    tpu.vector_store %arg6[%swap3A_335, %swap3A_336], %add3A_333 {strides = array<i32>} : memref<8x128xi32, #tpu.memory_space<vmem>>, vector<16xi32>,
    %add3A_338 = arith.constant 6000 : i32
    %add3A_339 = vector.broadcast %add3A_338 : i32 to vector<16xi32>
    %add3A_340 = arith.addi %get3A_295, %add3A_339 : vector<16xi32>
    %swap3A_341 = arith.constant 6 : i32
    %swap3A_342 = arith.index_cast %swap3A_341 : i32 to index
    %swap3A_343 = arith.constant 64 : index
    %swap3A_344 = tpu.vector_load %arg6[%swap3A_342, %swap3A_343] {strides = array<i32>} : memref<8x128xi32, #tpu.memory_space<vmem>>, vector<16xi32>,
    tpu.vector_store %arg6[%swap3A_342, %swap3A_343], %add3A_340 {strides = array<i32>} : memref<8x128xi32, #tpu.memory_space<vmem>>, vector<16xi32>,
    %add3A_345 = arith.constant 7000 : i32
    %add3A_346 = vector.broadcast %add3A_345 : i32 to vector<16xi32>
    %add3A_347 = arith.addi %get3A_295, %add3A_346 : vector<16xi32>
    %swap3A_348 = arith.constant 7 : i32
    %swap3A_349 = arith.index_cast %swap3A_348 : i32 to index
    %swap3A_350 = arith.constant 64 : index
    %swap3A_351 = tpu.vector_load %arg6[%swap3A_349, %swap3A_350] {strides = array<i32>} : memref<8x128xi32, #tpu.memory_space<vmem>>, vector<16xi32>,
    tpu.vector_store %arg6[%swap3A_349, %swap3A_350], %add3A_347 {strides = array<i32>} : memref<8x128xi32, #tpu.memory_space<vmem>>, vector<16xi32>,
    %get3A_352 = arith.constant 80 : index
    %get3A_353 = tpu.vector_load %arg5[%get3A_352] {strides = array<i32>} : memref<128xi32, #tpu.memory_space<vmem>>, vector<16xi32>,
    %add3A_354 = arith.constant 0 : i32
    %add3A_355 = vector.broadcast %add3A_354 : i32 to vector<16xi32>
    %add3A_356 = arith.addi %get3A_353, %add3A_355 : vector<16xi32>
    %swap3A_357 = arith.constant 0 : i32
    %swap3A_358 = arith.index_cast %swap3A_357 : i32 to index
    %swap3A_359 = arith.constant 80 : index
    %swap3A_360 = tpu.vector_load %arg6[%swap3A_358, %swap3A_359] {strides = array<i32>} : memref<8x128xi32, #tpu.memory_space<vmem>>, vector<16xi32>,
    tpu.vector_store %arg6[%swap3A_358, %swap3A_359], %add3A_356 {strides = array<i32>} : memref<8x128xi32, #tpu.memory_space<vmem>>, vector<16xi32>,
    %add3A_361 = arith.constant 1000 : i32
    %add3A_362 = vector.broadcast %add3A_361 : i32 to vector<16xi32>
    %add3A_363 = arith.addi %get3A_353, %add3A_362 : vector<16xi32>
    %swap3A_364 = arith.constant 1 : i32
    %swap3A_365 = arith.index_cast %swap3A_364 : i32 to index
    %swap3A_366 = arith.constant 80 : index
    %swap3A_367 = tpu.vector_load %arg6[%swap3A_365, %swap3A_366] {strides = array<i32>} : memref<8x128xi32, #tpu.memory_space<vmem>>, vector<16xi32>,
    tpu.vector_store %arg6[%swap3A_365, %swap3A_366], %add3A_363 {strides = array<i32>} : memref<8x128xi32, #tpu.memory_space<vmem>>, vector<16xi32>,
    %add3A_368 = arith.constant 2000 : i32
    %add3A_369 = vector.broadcast %add3A_368 : i32 to vector<16xi32>
    %add3A_370 = arith.addi %get3A_353, %add3A_369 : vector<16xi32>
    %swap3A_371 = arith.constant 2 : i32
    %swap3A_372 = arith.index_cast %swap3A_371 : i32 to index
    %swap3A_373 = arith.constant 80 : index
    %swap3A_374 = tpu.vector_load %arg6[%swap3A_372, %swap3A_373] {strides = array<i32>} : memref<8x128xi32, #tpu.memory_space<vmem>>, vector<16xi32>,
    tpu.vector_store %arg6[%swap3A_372, %swap3A_373], %add3A_370 {strides = array<i32>} : memref<8x128xi32, #tpu.memory_space<vmem>>, vector<16xi32>,
    %add3A_375 = arith.constant 3000 : i32
    %add3A_376 = vector.broadcast %add3A_375 : i32 to vector<16xi32>
    %add3A_377 = arith.addi %get3A_353, %add3A_376 : vector<16xi32>
    %swap3A_378 = arith.constant 3 : i32
    %swap3A_379 = arith.index_cast %swap3A_378 : i32 to index
    %swap3A_380 = arith.constant 80 : index
    %swap3A_381 = tpu.vector_load %arg6[%swap3A_379, %swap3A_380] {strides = array<i32>} : memref<8x128xi32, #tpu.memory_space<vmem>>, vector<16xi32>,
    tpu.vector_store %arg6[%swap3A_379, %swap3A_380], %add3A_377 {strides = array<i32>} : memref<8x128xi32, #tpu.memory_space<vmem>>, vector<16xi32>,
    %add3A_382 = arith.constant 4000 : i32
    %add3A_383 = vector.broadcast %add3A_382 : i32 to vector<16xi32>
    %add3A_384 = arith.addi %get3A_353, %add3A_383 : vector<16xi32>
    %swap3A_385 = arith.constant 4 : i32
    %swap3A_386 = arith.index_cast %swap3A_385 : i32 to index
    %swap3A_387 = arith.constant 80 : index
    %swap3A_388 = tpu.vector_load %arg6[%swap3A_386, %swap3A_387] {strides = array<i32>} : memref<8x128xi32, #tpu.memory_space<vmem>>, vector<16xi32>,
    tpu.vector_store %arg6[%swap3A_386, %swap3A_387], %add3A_384 {strides = array<i32>} : memref<8x128xi32, #tpu.memory_space<vmem>>, vector<16xi32>,
    %add3A_389 = arith.constant 5000 : i32
    %add3A_390 = vector.broadcast %add3A_389 : i32 to vector<16xi32>
    %add3A_391 = arith.addi %get3A_353, %add3A_390 : vector<16xi32>
    %swap3A_392 = arith.constant 5 : i32
    %swap3A_393 = arith.index_cast %swap3A_392 : i32 to index
    %swap3A_394 = arith.constant 80 : index
    %swap3A_395 = tpu.vector_load %arg6[%swap3A_393, %swap3A_394] {strides = array<i32>} : memref<8x128xi32, #tpu.memory_space<vmem>>, vector<16xi32>,
    tpu.vector_store %arg6[%swap3A_393, %swap3A_394], %add3A_391 {strides = array<i32>} : memref<8x128xi32, #tpu.memory_space<vmem>>, vector<16xi32>,
    %add3A_396 = arith.constant 6000 : i32
    %add3A_397 = vector.broadcast %add3A_396 : i32 to vector<16xi32>
    %add3A_398 = arith.addi %get3A_353, %add3A_397 : vector<16xi32>
    %swap3A_399 = arith.constant 6 : i32
    %swap3A_400 = arith.index_cast %swap3A_399 : i32 to index
    %swap3A_401 = arith.constant 80 : index
    %swap3A_402 = tpu.vector_load %arg6[%swap3A_400, %swap3A_401] {strides = array<i32>} : memref<8x128xi32, #tpu.memory_space<vmem>>, vector<16xi32>,
    tpu.vector_store %arg6[%swap3A_400, %swap3A_401], %add3A_398 {strides = array<i32>} : memref<8x128xi32, #tpu.memory_space<vmem>>, vector<16xi32>,
    %add3A_403 = arith.constant 7000 : i32
    %add3A_404 = vector.broadcast %add3A_403 : i32 to vector<16xi32>
    %add3A_405 = arith.addi %get3A_353, %add3A_404 : vector<16xi32>
    %swap3A_406 = arith.constant 7 : i32
    %swap3A_407 = arith.index_cast %swap3A_406 : i32 to index
    %swap3A_408 = arith.constant 80 : index
    %swap3A_409 = tpu.vector_load %arg6[%swap3A_407, %swap3A_408] {strides = array<i32>} : memref<8x128xi32, #tpu.memory_space<vmem>>, vector<16xi32>,
    tpu.vector_store %arg6[%swap3A_407, %swap3A_408], %add3A_405 {strides = array<i32>} : memref<8x128xi32, #tpu.memory_space<vmem>>, vector<16xi32>,
    %get3A_410 = arith.constant 96 : index
    %get3A_411 = tpu.vector_load %arg5[%get3A_410] {strides = array<i32>} : memref<128xi32, #tpu.memory_space<vmem>>, vector<16xi32>,
    %add3A_412 = arith.constant 0 : i32
    %add3A_413 = vector.broadcast %add3A_412 : i32 to vector<16xi32>
    %add3A_414 = arith.addi %get3A_411, %add3A_413 : vector<16xi32>
    %swap3A_415 = arith.constant 0 : i32
    %swap3A_416 = arith.index_cast %swap3A_415 : i32 to index
    %swap3A_417 = arith.constant 96 : index
    %swap3A_418 = tpu.vector_load %arg6[%swap3A_416, %swap3A_417] {strides = array<i32>} : memref<8x128xi32, #tpu.memory_space<vmem>>, vector<16xi32>,
    tpu.vector_store %arg6[%swap3A_416, %swap3A_417], %add3A_414 {strides = array<i32>} : memref<8x128xi32, #tpu.memory_space<vmem>>, vector<16xi32>,
    %add3A_419 = arith.constant 1000 : i32
    %add3A_420 = vector.broadcast %add3A_419 : i32 to vector<16xi32>
    %add3A_421 = arith.addi %get3A_411, %add3A_420 : vector<16xi32>
    %swap3A_422 = arith.constant 1 : i32
    %swap3A_423 = arith.index_cast %swap3A_422 : i32 to index
    %swap3A_424 = arith.constant 96 : index
    %swap3A_425 = tpu.vector_load %arg6[%swap3A_423, %swap3A_424] {strides = array<i32>} : memref<8x128xi32, #tpu.memory_space<vmem>>, vector<16xi32>,
    tpu.vector_store %arg6[%swap3A_423, %swap3A_424], %add3A_421 {strides = array<i32>} : memref<8x128xi32, #tpu.memory_space<vmem>>, vector<16xi32>,
    %add3A_426 = arith.constant 2000 : i32
    %add3A_427 = vector.broadcast %add3A_426 : i32 to vector<16xi32>
    %add3A_428 = arith.addi %get3A_411, %add3A_427 : vector<16xi32>
    %swap3A_429 = arith.constant 2 : i32
    %swap3A_430 = arith.index_cast %swap3A_429 : i32 to index
    %swap3A_431 = arith.constant 96 : index
    %swap3A_432 = tpu.vector_load %arg6[%swap3A_430, %swap3A_431] {strides = array<i32>} : memref<8x128xi32, #tpu.memory_space<vmem>>, vector<16xi32>,
    tpu.vector_store %arg6[%swap3A_430, %swap3A_431], %add3A_428 {strides = array<i32>} : memref<8x128xi32, #tpu.memory_space<vmem>>, vector<16xi32>,
    %add3A_433 = arith.constant 3000 : i32
    %add3A_434 = vector.broadcast %add3A_433 : i32 to vector<16xi32>
    %add3A_435 = arith.addi %get3A_411, %add3A_434 : vector<16xi32>
    %swap3A_436 = arith.constant 3 : i32
    %swap3A_437 = arith.index_cast %swap3A_436 : i32 to index
    %swap3A_438 = arith.constant 96 : index
    %swap3A_439 = tpu.vector_load %arg6[%swap3A_437, %swap3A_438] {strides = array<i32>} : memref<8x128xi32, #tpu.memory_space<vmem>>, vector<16xi32>,
    tpu.vector_store %arg6[%swap3A_437, %swap3A_438], %add3A_435 {strides = array<i32>} : memref<8x128xi32, #tpu.memory_space<vmem>>, vector<16xi32>,
    %add3A_440 = arith.constant 4000 : i32
    %add3A_441 = vector.broadcast %add3A_440 : i32 to vector<16xi32>
    %add3A_442 = arith.addi %get3A_411, %add3A_441 : vector<16xi32>
    %swap3A_443 = arith.constant 4 : i32
    %swap3A_444 = arith.index_cast %swap3A_443 : i32 to index
    %swap3A_445 = arith.constant 96 : index
    %swap3A_446 = tpu.vector_load %arg6[%swap3A_444, %swap3A_445] {strides = array<i32>} : memref<8x128xi32, #tpu.memory_space<vmem>>, vector<16xi32>,
    tpu.vector_store %arg6[%swap3A_444, %swap3A_445], %add3A_442 {strides = array<i32>} : memref<8x128xi32, #tpu.memory_space<vmem>>, vector<16xi32>,
    %add3A_447 = arith.constant 5000 : i32
    %add3A_448 = vector.broadcast %add3A_447 : i32 to vector<16xi32>
    %add3A_449 = arith.addi %get3A_411, %add3A_448 : vector<16xi32>
    %swap3A_450 = arith.constant 5 : i32
    %swap3A_451 = arith.index_cast %swap3A_450 : i32 to index
    %swap3A_452 = arith.constant 96 : index
    %swap3A_453 = tpu.vector_load %arg6[%swap3A_451, %swap3A_452] {strides = array<i32>} : memref<8x128xi32, #tpu.memory_space<vmem>>, vector<16xi32>,
    tpu.vector_store %arg6[%swap3A_451, %swap3A_452], %add3A_449 {strides = array<i32>} : memref<8x128xi32, #tpu.memory_space<vmem>>, vector<16xi32>,
    %add3A_454 = arith.constant 6000 : i32
    %add3A_455 = vector.broadcast %add3A_454 : i32 to vector<16xi32>
    %add3A_456 = arith.addi %get3A_411, %add3A_455 : vector<16xi32>
    %swap3A_457 = arith.constant 6 : i32
    %swap3A_458 = arith.index_cast %swap3A_457 : i32 to index
    %swap3A_459 = arith.constant 96 : index
    %swap3A_460 = tpu.vector_load %arg6[%swap3A_458, %swap3A_459] {strides = array<i32>} : memref<8x128xi32, #tpu.memory_space<vmem>>, vector<16xi32>,
    tpu.vector_store %arg6[%swap3A_458, %swap3A_459], %add3A_456 {strides = array<i32>} : memref<8x128xi32, #tpu.memory_space<vmem>>, vector<16xi32>,
    %add3A_461 = arith.constant 7000 : i32
    %add3A_462 = vector.broadcast %add3A_461 : i32 to vector<16xi32>
    %add3A_463 = arith.addi %get3A_411, %add3A_462 : vector<16xi32>
    %swap3A_464 = arith.constant 7 : i32
    %swap3A_465 = arith.index_cast %swap3A_464 : i32 to index
    %swap3A_466 = arith.constant 96 : index
    %swap3A_467 = tpu.vector_load %arg6[%swap3A_465, %swap3A_466] {strides = array<i32>} : memref<8x128xi32, #tpu.memory_space<vmem>>, vector<16xi32>,
    tpu.vector_store %arg6[%swap3A_465, %swap3A_466], %add3A_463 {strides = array<i32>} : memref<8x128xi32, #tpu.memory_space<vmem>>, vector<16xi32>,
    %get3A_468 = arith.constant 112 : index
    %get3A_469 = tpu.vector_load %arg5[%get3A_468] {strides = array<i32>} : memref<128xi32, #tpu.memory_space<vmem>>, vector<16xi32>,
    %add3A_470 = arith.constant 0 : i32
    %add3A_471 = vector.broadcast %add3A_470 : i32 to vector<16xi32>
    %add3A_472 = arith.addi %get3A_469, %add3A_471 : vector<16xi32>
    %swap3A_473 = arith.constant 0 : i32
    %swap3A_474 = arith.index_cast %swap3A_473 : i32 to index
    %swap3A_475 = arith.constant 112 : index
    %swap3A_476 = tpu.vector_load %arg6[%swap3A_474, %swap3A_475] {strides = array<i32>} : memref<8x128xi32, #tpu.memory_space<vmem>>, vector<16xi32>,
    tpu.vector_store %arg6[%swap3A_474, %swap3A_475], %add3A_472 {strides = array<i32>} : memref<8x128xi32, #tpu.memory_space<vmem>>, vector<16xi32>,
    %add3A_477 = arith.constant 1000 : i32
    %add3A_478 = vector.broadcast %add3A_477 : i32 to vector<16xi32>
    %add3A_479 = arith.addi %get3A_469, %add3A_478 : vector<16xi32>
    %swap3A_480 = arith.constant 1 : i32
    %swap3A_481 = arith.index_cast %swap3A_480 : i32 to index
    %swap3A_482 = arith.constant 112 : index
    %swap3A_483 = tpu.vector_load %arg6[%swap3A_481, %swap3A_482] {strides = array<i32>} : memref<8x128xi32, #tpu.memory_space<vmem>>, vector<16xi32>,
    tpu.vector_store %arg6[%swap3A_481, %swap3A_482], %add3A_479 {strides = array<i32>} : memref<8x128xi32, #tpu.memory_space<vmem>>, vector<16xi32>,
    %add3A_484 = arith.constant 2000 : i32
    %add3A_485 = vector.broadcast %add3A_484 : i32 to vector<16xi32>
    %add3A_486 = arith.addi %get3A_469, %add3A_485 : vector<16xi32>
    %swap3A_487 = arith.constant 2 : i32
    %swap3A_488 = arith.index_cast %swap3A_487 : i32 to index
    %swap3A_489 = arith.constant 112 : index
    %swap3A_490 = tpu.vector_load %arg6[%swap3A_488, %swap3A_489] {strides = array<i32>} : memref<8x128xi32, #tpu.memory_space<vmem>>, vector<16xi32>,
    tpu.vector_store %arg6[%swap3A_488, %swap3A_489], %add3A_486 {strides = array<i32>} : memref<8x128xi32, #tpu.memory_space<vmem>>, vector<16xi32>,
    %add3A_491 = arith.constant 3000 : i32
    %add3A_492 = vector.broadcast %add3A_491 : i32 to vector<16xi32>
    %add3A_493 = arith.addi %get3A_469, %add3A_492 : vector<16xi32>
    %swap3A_494 = arith.constant 3 : i32
    %swap3A_495 = arith.index_cast %swap3A_494 : i32 to index
    %swap3A_496 = arith.constant 112 : index
    %swap3A_497 = tpu.vector_load %arg6[%swap3A_495, %swap3A_496] {strides = array<i32>} : memref<8x128xi32, #tpu.memory_space<vmem>>, vector<16xi32>,
    tpu.vector_store %arg6[%swap3A_495, %swap3A_496], %add3A_493 {strides = array<i32>} : memref<8x128xi32, #tpu.memory_space<vmem>>, vector<16xi32>,
    %add3A_498 = arith.constant 4000 : i32
    %add3A_499 = vector.broadcast %add3A_498 : i32 to vector<16xi32>
    %add3A_500 = arith.addi %get3A_469, %add3A_499 : vector<16xi32>
    %swap3A_501 = arith.constant 4 : i32
    %swap3A_502 = arith.index_cast %swap3A_501 : i32 to index
    %swap3A_503 = arith.constant 112 : index
    %swap3A_504 = tpu.vector_load %arg6[%swap3A_502, %swap3A_503] {strides = array<i32>} : memref<8x128xi32, #tpu.memory_space<vmem>>, vector<16xi32>,
    tpu.vector_store %arg6[%swap3A_502, %swap3A_503], %add3A_500 {strides = array<i32>} : memref<8x128xi32, #tpu.memory_space<vmem>>, vector<16xi32>,
    %add3A_505 = arith.constant 5000 : i32
    %add3A_506 = vector.broadcast %add3A_505 : i32 to vector<16xi32>
    %add3A_507 = arith.addi %get3A_469, %add3A_506 : vector<16xi32>
    %swap3A_508 = arith.constant 5 : i32
    %swap3A_509 = arith.index_cast %swap3A_508 : i32 to index
    %swap3A_510 = arith.constant 112 : index
    %swap3A_511 = tpu.vector_load %arg6[%swap3A_509, %swap3A_510] {strides = array<i32>} : memref<8x128xi32, #tpu.memory_space<vmem>>, vector<16xi32>,
    tpu.vector_store %arg6[%swap3A_509, %swap3A_510], %add3A_507 {strides = array<i32>} : memref<8x128xi32, #tpu.memory_space<vmem>>, vector<16xi32>,
    %add3A_512 = arith.constant 6000 : i32
    %add3A_513 = vector.broadcast %add3A_512 : i32 to vector<16xi32>
    %add3A_514 = arith.addi %get3A_469, %add3A_513 : vector<16xi32>
    %swap3A_515 = arith.constant 6 : i32
    %swap3A_516 = arith.index_cast %swap3A_515 : i32 to index
    %swap3A_517 = arith.constant 112 : index
    %swap3A_518 = tpu.vector_load %arg6[%swap3A_516, %swap3A_517] {strides = array<i32>} : memref<8x128xi32, #tpu.memory_space<vmem>>, vector<16xi32>,
    tpu.vector_store %arg6[%swap3A_516, %swap3A_517], %add3A_514 {strides = array<i32>} : memref<8x128xi32, #tpu.memory_space<vmem>>, vector<16xi32>,
    %add3A_519 = arith.constant 7000 : i32
    %add3A_520 = vector.broadcast %add3A_519 : i32 to vector<16xi32>
    %add3A_521 = arith.addi %get3A_469, %add3A_520 : vector<16xi32>
    %swap3A_522 = arith.constant 7 : i32
    %swap3A_523 = arith.index_cast %swap3A_522 : i32 to index
    %swap3A_524 = arith.constant 112 : index
    %swap3A_525 = tpu.vector_load %arg6[%swap3A_523, %swap3A_524] {strides = array<i32>} : memref<8x128xi32, #tpu.memory_space<vmem>>, vector<16xi32>,
    tpu.vector_store %arg6[%swap3A_523, %swap3A_524], %add3A_521 {strides = array<i32>} : memref<8x128xi32, #tpu.memory_space<vmem>>, vector<16xi32>,
    %mul3A_526 = arith.constant 50 : i32
    %mul3A_527 = arith.muli %add3A, %mul3A_526 : i32
    %add3A_528 = arith.constant 0 : i32
    %add3A_529 = arith.addi %mul3A_527, %add3A_528 : i32
    %jit3A_530 = arith.constant 8 : i32
    %div3A_531 = arith.divsi %add3A_529, %jit3A_530 : i32
    %sign3A_532 = arith.constant 0 : i32
    %sign3A_533 = arith.cmpi sgt, %add3A_529, %sign3A_532 : i32
    %sign3A_534 = arith.extui %sign3A_533 : i1 to i32
    %sign3A_535 = arith.constant 0 : i32
    %sign3A_536 = arith.cmpi slt, %add3A_529, %sign3A_535 : i32
    %sign3A_537 = arith.extui %sign3A_536 : i1 to i32
    %sign3A_538 = arith.subi %sign3A_534, %sign3A_537 : i32
    %sign3A_539 = arith.constant 0 : i32
    %sign3A_540 = arith.cmpi sgt, %jit3A_530, %sign3A_539 : i32
    %sign3A_541 = arith.extui %sign3A_540 : i1 to i32
    %sign3A_542 = arith.constant 0 : i32
    %sign3A_543 = arith.cmpi slt, %jit3A_530, %sign3A_542 : i32
    %sign3A_544 = arith.extui %sign3A_543 : i1 to i32
    %sign3A_545 = arith.subi %sign3A_541, %sign3A_544 : i32
    %ne3A_546 = arith.cmpi ne, %sign3A_538, %sign3A_545 : i32
    %rem3A_547 = arith.remsi %add3A_529, %jit3A_530 : i32
    %ne3A_548 = arith.constant 0 : i32
    %ne3A_549 = arith.cmpi ne, %rem3A_547, %ne3A_548 : i32
    %and3A_550 = arith.andi %ne3A_546, %ne3A_549 : i1
    %sub3A_551 = arith.constant 1 : i32
    %sub3A_552 = arith.subi %div3A_531, %sub3A_551 : i32
    %select_n3A_553 = arith.select %and3A_550, %sub3A_552, %div3A_531 : i32
    %jit3A_554 = arith.constant 8 : i32
    %eq3A_555 = arith.constant 0 : i32
    %eq3A_556 = arith.cmpi eq, %jit3A_554, %eq3A_555 : i32
    %jit3A_557 = arith.constant 1 : i32
    %select_n3A_558 = arith.select %eq3A_556, %jit3A_557, %jit3A_554 : i32
    %rem3A_559 = arith.remsi %add3A_529, %select_n3A_558 : i32
    %ne3A_560 = arith.constant 0 : i32
    %ne3A_561 = arith.cmpi ne, %rem3A_559, %ne3A_560 : i32
    %lt3A_562 = arith.constant 0 : i32
    %lt3A_563 = arith.cmpi slt, %rem3A_559, %lt3A_562 : i32
    %lt3A_564 = arith.constant 0 : i32
    %lt3A_565 = arith.cmpi slt, %select_n3A_558, %lt3A_564 : i32
    %ne3A_566 = arith.xori %lt3A_563, %lt3A_565 : i1
    %and3A_567 = arith.andi %ne3A_566, %ne3A_561 : i1
    %add3A_568 = arith.addi %rem3A_559, %select_n3A_558 : i32
    %select_n3A_569 = arith.select %and3A_567, %add3A_568, %rem3A_559 : i32
    %dma_start3A = arith.constant 0 : i32
    %dma_start3A_570 = arith.constant 0 : i32
    %dma_start3A_571 = tpu.memref_slice %arg6[%dma_start3A, %dma_start3A_570] : memref<8x128xi32, #tpu.memory_space<vmem>> -> memref<1x128xi32, #tpu.memory_space<vmem>>
    %dma_start3A_572 = tpu.memref_squeeze %dma_start3A_571 : memref<1x128xi32, #tpu.memory_space<vmem>> -> memref<128xi32, #tpu.memory_space<vmem>>
    %dma_start3A_573 = arith.constant 0 : i32
    %dma_start3A_574 = arith.constant 0 : i32
    %dma_start3A_575 = tpu.memref_slice %arg3[%dma_start3A_573, %dma_start3A_574] : memref<8000x128xf32, #tpu.memory_space<hbm>> -> memref<8000x128xf32, #tpu.memory_space<hbm>>
    tpu.enqueue_indirect_dma source(%dma_start3A_575 : memref<8000x128xf32, #tpu.memory_space<hbm>>) target(%arg7 : memref<128x128xf32, #tpu.memory_space<vmem>>) offsets(%dma_start3A_572 : memref<128xi32, #tpu.memory_space<vmem>>) semaphore(%arg12 : memref<!tpu.dma_semaphore, #tpu.memory_space<semaphore_mem>>)
    %scan3A = arith.constant 0 : i32
    %scan3A_576 = arith.constant 0 : i32
    %scan3A_577 = arith.constant 200 : i32
    %scan3A_578 = arith.addi %scan3A_576, %scan3A_577 : i32
    %scan3A_579 = arith.constant 1 : i32
    scf.for %scan3A_581 = %scan3A_576 to %scan3A_578 step %scan3A_579  : i32 {
      %mul3A_582 = arith.constant 2 : i32
      %mul3A_583 = arith.muli %mul3A_582, %scan3A_581 : i32
      %add3A_584 = arith.constant 1 : i32
      %add3A_585 = arith.addi %mul3A_583, %add3A_584 : i32
      %mul3A_586 = arith.constant 50 : i32
      %mul3A_587 = arith.muli %add3A, %mul3A_586 : i32
      %jit3A_588 = arith.constant 8 : i32
      %div3A_589 = arith.divsi %add3A_585, %jit3A_588 : i32
      %sign3A_590 = arith.constant 0 : i32
      %sign3A_591 = arith.cmpi sgt, %add3A_585, %sign3A_590 : i32
      %sign3A_592 = arith.extui %sign3A_591 : i1 to i32
      %sign3A_593 = arith.constant 0 : i32
      %sign3A_594 = arith.cmpi slt, %add3A_585, %sign3A_593 : i32
      %sign3A_595 = arith.extui %sign3A_594 : i1 to i32
      %sign3A_596 = arith.subi %sign3A_592, %sign3A_595 : i32
      %sign3A_597 = arith.constant 0 : i32
      %sign3A_598 = arith.cmpi sgt, %jit3A_588, %sign3A_597 : i32
      %sign3A_599 = arith.extui %sign3A_598 : i1 to i32
      %sign3A_600 = arith.constant 0 : i32
      %sign3A_601 = arith.cmpi slt, %jit3A_588, %sign3A_600 : i32
      %sign3A_602 = arith.extui %sign3A_601 : i1 to i32
      %sign3A_603 = arith.subi %sign3A_599, %sign3A_602 : i32
      %ne3A_604 = arith.cmpi ne, %sign3A_596, %sign3A_603 : i32
      %rem3A_605 = arith.remsi %add3A_585, %jit3A_588 : i32
      %ne3A_606 = arith.constant 0 : i32
      %ne3A_607 = arith.cmpi ne, %rem3A_605, %ne3A_606 : i32
      %and3A_608 = arith.andi %ne3A_604, %ne3A_607 : i1
      %sub3A_609 = arith.constant 1 : i32
      %sub3A_610 = arith.subi %div3A_589, %sub3A_609 : i32
      %select_n3A_611 = arith.select %and3A_608, %sub3A_610, %div3A_589 : i32
      %add3A_612 = arith.addi %mul3A_587, %select_n3A_611 : i32
      %jit3A_613 = arith.constant 8 : i32
      %div3A_614 = arith.divsi %add3A_612, %jit3A_613 : i32
      %sign3A_615 = arith.constant 0 : i32
      %sign3A_616 = arith.cmpi sgt, %add3A_612, %sign3A_615 : i32
      %sign3A_617 = arith.extui %sign3A_616 : i1 to i32
      %sign3A_618 = arith.constant 0 : i32
      %sign3A_619 = arith.cmpi slt, %add3A_612, %sign3A_618 : i32
      %sign3A_620 = arith.extui %sign3A_619 : i1 to i32
      %sign3A_621 = arith.subi %sign3A_617, %sign3A_620 : i32
      %sign3A_622 = arith.constant 0 : i32
      %sign3A_623 = arith.cmpi sgt, %jit3A_613, %sign3A_622 : i32
      %sign3A_624 = arith.extui %sign3A_623 : i1 to i32
      %sign3A_625 = arith.constant 0 : i32
      %sign3A_626 = arith.cmpi slt, %jit3A_613, %sign3A_625 : i32
      %sign3A_627 = arith.extui %sign3A_626 : i1 to i32
      %sign3A_628 = arith.subi %sign3A_624, %sign3A_627 : i32
      %ne3A_629 = arith.cmpi ne, %sign3A_621, %sign3A_628 : i32
      %rem3A_630 = arith.remsi %add3A_612, %jit3A_613 : i32
      %ne3A_631 = arith.constant 0 : i32
      %ne3A_632 = arith.cmpi ne, %rem3A_630, %ne3A_631 : i32
      %and3A_633 = arith.andi %ne3A_629, %ne3A_632 : i1
      %sub3A_634 = arith.constant 1 : i32
      %sub3A_635 = arith.subi %div3A_614, %sub3A_634 : i32
      %select_n3A_636 = arith.select %and3A_633, %sub3A_635, %div3A_614 : i32
      %jit3A_637 = arith.constant 8 : i32
      %eq3A_638 = arith.constant 0 : i32
      %eq3A_639 = arith.cmpi eq, %jit3A_637, %eq3A_638 : i32
      %jit3A_640 = arith.constant 1 : i32
      %select_n3A_641 = arith.select %eq3A_639, %jit3A_640, %jit3A_637 : i32
      %rem3A_642 = arith.remsi %add3A_612, %select_n3A_641 : i32
      %ne3A_643 = arith.constant 0 : i32
      %ne3A_644 = arith.cmpi ne, %rem3A_642, %ne3A_643 : i32
      %lt3A_645 = arith.constant 0 : i32
      %lt3A_646 = arith.cmpi slt, %rem3A_642, %lt3A_645 : i32
      %lt3A_647 = arith.constant 0 : i32
      %lt3A_648 = arith.cmpi slt, %select_n3A_641, %lt3A_647 : i32
      %ne3A_649 = arith.xori %lt3A_646, %lt3A_648 : i1
      %and3A_650 = arith.andi %ne3A_649, %ne3A_644 : i1
      %add3A_651 = arith.addi %rem3A_642, %select_n3A_641 : i32
      %select_n3A_652 = arith.select %and3A_650, %add3A_651, %rem3A_642 : i32
      %jit3A_653 = arith.constant 8 : i32
      %eq3A_654 = arith.constant 0 : i32
      %eq3A_655 = arith.cmpi eq, %jit3A_653, %eq3A_654 : i32
      %jit3A_656 = arith.constant 1 : i32
      %select_n3A_657 = arith.select %eq3A_655, %jit3A_656, %jit3A_653 : i32
      %rem3A_658 = arith.remsi %add3A_585, %select_n3A_657 : i32
      %ne3A_659 = arith.constant 0 : i32
      %ne3A_660 = arith.cmpi ne, %rem3A_658, %ne3A_659 : i32
      %lt3A_661 = arith.constant 0 : i32
      %lt3A_662 = arith.cmpi slt, %rem3A_658, %lt3A_661 : i32
      %lt3A_663 = arith.constant 0 : i32
      %lt3A_664 = arith.cmpi slt, %select_n3A_657, %lt3A_663 : i32
      %ne3A_665 = arith.xori %lt3A_662, %lt3A_664 : i1
      %and3A_666 = arith.andi %ne3A_665, %ne3A_660 : i1
      %add3A_667 = arith.addi %rem3A_658, %select_n3A_657 : i32
      %select_n3A_668 = arith.select %and3A_666, %add3A_667, %rem3A_658 : i32
      %dma_start3A_669 = arith.constant 0 : i32
      %dma_start3A_670 = tpu.memref_slice %arg6[%select_n3A_668, %dma_start3A_669] : memref<8x128xi32, #tpu.memory_space<vmem>> -> memref<1x128xi32, #tpu.memory_space<vmem>>
      %dma_start3A_671 = tpu.memref_squeeze %dma_start3A_670 : memref<1x128xi32, #tpu.memory_space<vmem>> -> memref<128xi32, #tpu.memory_space<vmem>>
      %dma_start3A_672 = arith.constant 0 : i32
      %dma_start3A_673 = arith.constant 0 : i32
      %dma_start3A_674 = tpu.memref_slice %arg3[%dma_start3A_672, %dma_start3A_673] : memref<8000x128xf32, #tpu.memory_space<hbm>> -> memref<8000x128xf32, #tpu.memory_space<hbm>>
      tpu.enqueue_indirect_dma source(%dma_start3A_674 : memref<8000x128xf32, #tpu.memory_space<hbm>>) target(%arg8 : memref<128x128xf32, #tpu.memory_space<vmem>>) offsets(%dma_start3A_671 : memref<128xi32, #tpu.memory_space<vmem>>) semaphore(%arg12 : memref<!tpu.dma_semaphore, #tpu.memory_space<semaphore_mem>>)
      %dma_wait3A = arith.constant 0 : i32
      %dma_wait3A_675 = arith.constant 0 : i32
      %dma_wait3A_676 = tpu.memref_slice %arg3[%dma_wait3A, %dma_wait3A_675] : memref<8000x128xf32, #tpu.memory_space<hbm>> -> memref<128x128xf32, #tpu.memory_space<hbm>>
      %dma_wait3A_677 = arith.constant 0 : i32
      %dma_wait3A_678 = arith.constant 0 : i32
      %dma_wait3A_679 = tpu.memref_slice %arg3[%dma_wait3A_677, %dma_wait3A_678] : memref<8000x128xf32, #tpu.memory_space<hbm>> -> memref<128x128xf32, #tpu.memory_space<hbm>>
      tpu.wait_dma2 semaphore(%arg12 : memref<!tpu.dma_semaphore, #tpu.memory_space<semaphore_mem>>) src(%dma_wait3A_679 : memref<128x128xf32, #tpu.memory_space<hbm>>) dst(%arg7 : memref<128x128xf32, #tpu.memory_space<vmem>>)
      %scan3A_680 = arith.constant 0 : i32
      %scan3A_681 = arith.constant 0 : i32
      %scan3A_682 = arith.constant 128 : i32
      %scan3A_683 = arith.addi %scan3A_681, %scan3A_682 : i32
      %scan3A_684 = arith.constant 1 : i32
      scf.for %scan3A_1107 = %scan3A_681 to %scan3A_683 step %scan3A_684  : i32 {
        %broadcast_in_dim3A = vector.broadcast %scan3A_1107 : i32 to vector<16xi32>
        %gather3A = tpu.vector_load_idx %arg7[%add3A_3, %broadcast_in_dim3A] : memref<128x128xf32, #tpu.memory_space<vmem>>[vector<16xi32>, vector<16xi32>], vector<16xf32>,
        %swap3A_1108 = arith.index_cast %scan3A_1107 : i32 to index
        %swap3A_1109 = arith.constant 0 : index
        %swap3A_1110 = tpu.vector_load %arg9[%swap3A_1108, %swap3A_1109] {strides = array<i32>} : memref<128x128xf32, #tpu.memory_space<vmem>>, vector<16xf32>,
        tpu.vector_store %arg9[%swap3A_1108, %swap3A_1109], %gather3A {strides = array<i32>} : memref<128x128xf32, #tpu.memory_space<vmem>>, vector<16xf32>,
        %gather3A_1111 = tpu.vector_load_idx %arg7[%add3A_6, %broadcast_in_dim3A] : memref<128x128xf32, #tpu.memory_space<vmem>>[vector<16xi32>, vector<16xi32>], vector<16xf32>,
        %swap3A_1112 = arith.index_cast %scan3A_1107 : i32 to index
        %swap3A_1113 = arith.constant 16 : index
        %swap3A_1114 = tpu.vector_load %arg9[%swap3A_1112, %swap3A_1113] {strides = array<i32>} : memref<128x128xf32, #tpu.memory_space<vmem>>, vector<16xf32>,
        tpu.vector_store %arg9[%swap3A_1112, %swap3A_1113], %gather3A_1111 {strides = array<i32>} : memref<128x128xf32, #tpu.memory_space<vmem>>, vector<16xf32>,
        %gather3A_1115 = tpu.vector_load_idx %arg7[%add3A_9, %broadcast_in_dim3A] : memref<128x128xf32, #tpu.memory_space<vmem>>[vector<16xi32>, vector<16xi32>], vector<16xf32>,
        %swap3A_1116 = arith.index_cast %scan3A_1107 : i32 to index
        %swap3A_1117 = arith.constant 32 : index
        %swap3A_1118 = tpu.vector_load %arg9[%swap3A_1116, %swap3A_1117] {strides = array<i32>} : memref<128x128xf32, #tpu.memory_space<vmem>>, vector<16xf32>,
        tpu.vector_store %arg9[%swap3A_1116, %swap3A_1117], %gather3A_1115 {strides = array<i32>} : memref<128x128xf32, #tpu.memory_space<vmem>>, vector<16xf32>,
        %gather3A_1119 = tpu.vector_load_idx %arg7[%add3A_12, %broadcast_in_dim3A] : memref<128x128xf32, #tpu.memory_space<vmem>>[vector<16xi32>, vector<16xi32>], vector<16xf32>,
        %swap3A_1120 = arith.index_cast %scan3A_1107 : i32 to index
        %swap3A_1121 = arith.constant 48 : index
        %swap3A_1122 = tpu.vector_load %arg9[%swap3A_1120, %swap3A_1121] {strides = array<i32>} : memref<128x128xf32, #tpu.memory_space<vmem>>, vector<16xf32>,
        tpu.vector_store %arg9[%swap3A_1120, %swap3A_1121], %gather3A_1119 {strides = array<i32>} : memref<128x128xf32, #tpu.memory_space<vmem>>, vector<16xf32>,
        %gather3A_1123 = tpu.vector_load_idx %arg7[%add3A_15, %broadcast_in_dim3A] : memref<128x128xf32, #tpu.memory_space<vmem>>[vector<16xi32>, vector<16xi32>], vector<16xf32>,
        %swap3A_1124 = arith.index_cast %scan3A_1107 : i32 to index
        %swap3A_1125 = arith.constant 64 : index
        %swap3A_1126 = tpu.vector_load %arg9[%swap3A_1124, %swap3A_1125] {strides = array<i32>} : memref<128x128xf32, #tpu.memory_space<vmem>>, vector<16xf32>,
        tpu.vector_store %arg9[%swap3A_1124, %swap3A_1125], %gather3A_1123 {strides = array<i32>} : memref<128x128xf32, #tpu.memory_space<vmem>>, vector<16xf32>,
        %gather3A_1127 = tpu.vector_load_idx %arg7[%add3A_18, %broadcast_in_dim3A] : memref<128x128xf32, #tpu.memory_space<vmem>>[vector<16xi32>, vector<16xi32>], vector<16xf32>,
        %swap3A_1128 = arith.index_cast %scan3A_1107 : i32 to index
        %swap3A_1129 = arith.constant 80 : index
        %swap3A_1130 = tpu.vector_load %arg9[%swap3A_1128, %swap3A_1129] {strides = array<i32>} : memref<128x128xf32, #tpu.memory_space<vmem>>, vector<16xf32>,
        tpu.vector_store %arg9[%swap3A_1128, %swap3A_1129], %gather3A_1127 {strides = array<i32>} : memref<128x128xf32, #tpu.memory_space<vmem>>, vector<16xf32>,
        %gather3A_1131 = tpu.vector_load_idx %arg7[%add3A_21, %broadcast_in_dim3A] : memref<128x128xf32, #tpu.memory_space<vmem>>[vector<16xi32>, vector<16xi32>], vector<16xf32>,
        %swap3A_1132 = arith.index_cast %scan3A_1107 : i32 to index
        %swap3A_1133 = arith.constant 96 : index
        %swap3A_1134 = tpu.vector_load %arg9[%swap3A_1132, %swap3A_1133] {strides = array<i32>} : memref<128x128xf32, #tpu.memory_space<vmem>>, vector<16xf32>,
        tpu.vector_store %arg9[%swap3A_1132, %swap3A_1133], %gather3A_1131 {strides = array<i32>} : memref<128x128xf32, #tpu.memory_space<vmem>>, vector<16xf32>,
        %gather3A_1135 = tpu.vector_load_idx %arg7[%add3A_24, %broadcast_in_dim3A] : memref<128x128xf32, #tpu.memory_space<vmem>>[vector<16xi32>, vector<16xi32>], vector<16xf32>,
        %swap3A_1136 = arith.index_cast %scan3A_1107 : i32 to index
        %swap3A_1137 = arith.constant 112 : index
        %swap3A_1138 = tpu.vector_load %arg9[%swap3A_1136, %swap3A_1137] {strides = array<i32>} : memref<128x128xf32, #tpu.memory_space<vmem>>, vector<16xf32>,
        tpu.vector_store %arg9[%swap3A_1136, %swap3A_1137], %gather3A_1135 {strides = array<i32>} : memref<128x128xf32, #tpu.memory_space<vmem>>, vector<16xf32>,
      }
      %scan3A_685 = arith.constant 128 : i32
      %mul3A_686 = arith.constant 50 : i32
      %mul3A_687 = arith.muli %add3A, %mul3A_686 : i32
      %jit3A_688 = arith.constant 8 : i32
      %div3A_689 = arith.divsi %mul3A_583, %jit3A_688 : i32
      %sign3A_690 = arith.constant 0 : i32
      %sign3A_691 = arith.cmpi sgt, %mul3A_583, %sign3A_690 : i32
      %sign3A_692 = arith.extui %sign3A_691 : i1 to i32
      %sign3A_693 = arith.constant 0 : i32
      %sign3A_694 = arith.cmpi slt, %mul3A_583, %sign3A_693 : i32
      %sign3A_695 = arith.extui %sign3A_694 : i1 to i32
      %sign3A_696 = arith.subi %sign3A_692, %sign3A_695 : i32
      %sign3A_697 = arith.constant 0 : i32
      %sign3A_698 = arith.cmpi sgt, %jit3A_688, %sign3A_697 : i32
      %sign3A_699 = arith.extui %sign3A_698 : i1 to i32
      %sign3A_700 = arith.constant 0 : i32
      %sign3A_701 = arith.cmpi slt, %jit3A_688, %sign3A_700 : i32
      %sign3A_702 = arith.extui %sign3A_701 : i1 to i32
      %sign3A_703 = arith.subi %sign3A_699, %sign3A_702 : i32
      %ne3A_704 = arith.cmpi ne, %sign3A_696, %sign3A_703 : i32
      %rem3A_705 = arith.remsi %mul3A_583, %jit3A_688 : i32
      %ne3A_706 = arith.constant 0 : i32
      %ne3A_707 = arith.cmpi ne, %rem3A_705, %ne3A_706 : i32
      %and3A_708 = arith.andi %ne3A_704, %ne3A_707 : i1
      %sub3A_709 = arith.constant 1 : i32
      %sub3A_710 = arith.subi %div3A_689, %sub3A_709 : i32
      %select_n3A_711 = arith.select %and3A_708, %sub3A_710, %div3A_689 : i32
      %add3A_712 = arith.addi %mul3A_687, %select_n3A_711 : i32
      %jit3A_713 = arith.constant 8 : i32
      %div3A_714 = arith.divsi %add3A_712, %jit3A_713 : i32
      %sign3A_715 = arith.constant 0 : i32
      %sign3A_716 = arith.cmpi sgt, %add3A_712, %sign3A_715 : i32
      %sign3A_717 = arith.extui %sign3A_716 : i1 to i32
      %sign3A_718 = arith.constant 0 : i32
      %sign3A_719 = arith.cmpi slt, %add3A_712, %sign3A_718 : i32
      %sign3A_720 = arith.extui %sign3A_719 : i1 to i32
      %sign3A_721 = arith.subi %sign3A_717, %sign3A_720 : i32
      %sign3A_722 = arith.constant 0 : i32
      %sign3A_723 = arith.cmpi sgt, %jit3A_713, %sign3A_722 : i32
      %sign3A_724 = arith.extui %sign3A_723 : i1 to i32
      %sign3A_725 = arith.constant 0 : i32
      %sign3A_726 = arith.cmpi slt, %jit3A_713, %sign3A_725 : i32
      %sign3A_727 = arith.extui %sign3A_726 : i1 to i32
      %sign3A_728 = arith.subi %sign3A_724, %sign3A_727 : i32
      %ne3A_729 = arith.cmpi ne, %sign3A_721, %sign3A_728 : i32
      %rem3A_730 = arith.remsi %add3A_712, %jit3A_713 : i32
      %ne3A_731 = arith.constant 0 : i32
      %ne3A_732 = arith.cmpi ne, %rem3A_730, %ne3A_731 : i32
      %and3A_733 = arith.andi %ne3A_729, %ne3A_732 : i1
      %sub3A_734 = arith.constant 1 : i32
      %sub3A_735 = arith.subi %div3A_714, %sub3A_734 : i32
      %select_n3A_736 = arith.select %and3A_733, %sub3A_735, %div3A_714 : i32
      %jit3A_737 = arith.constant 8 : i32
      %eq3A_738 = arith.constant 0 : i32
      %eq3A_739 = arith.cmpi eq, %jit3A_737, %eq3A_738 : i32
      %jit3A_740 = arith.constant 1 : i32
      %select_n3A_741 = arith.select %eq3A_739, %jit3A_740, %jit3A_737 : i32
      %rem3A_742 = arith.remsi %add3A_712, %select_n3A_741 : i32
      %ne3A_743 = arith.constant 0 : i32
      %ne3A_744 = arith.cmpi ne, %rem3A_742, %ne3A_743 : i32
      %lt3A_745 = arith.constant 0 : i32
      %lt3A_746 = arith.cmpi slt, %rem3A_742, %lt3A_745 : i32
      %lt3A_747 = arith.constant 0 : i32
      %lt3A_748 = arith.cmpi slt, %select_n3A_741, %lt3A_747 : i32
      %ne3A_749 = arith.xori %lt3A_746, %lt3A_748 : i1
      %and3A_750 = arith.andi %ne3A_749, %ne3A_744 : i1
      %add3A_751 = arith.addi %rem3A_742, %select_n3A_741 : i32
      %select_n3A_752 = arith.select %and3A_750, %add3A_751, %rem3A_742 : i32
      %jit3A_753 = arith.constant 8 : i32
      %eq3A_754 = arith.constant 0 : i32
      %eq3A_755 = arith.cmpi eq, %jit3A_753, %eq3A_754 : i32
      %jit3A_756 = arith.constant 1 : i32
      %select_n3A_757 = arith.select %eq3A_755, %jit3A_756, %jit3A_753 : i32
      %rem3A_758 = arith.remsi %mul3A_583, %select_n3A_757 : i32
      %ne3A_759 = arith.constant 0 : i32
      %ne3A_760 = arith.cmpi ne, %rem3A_758, %ne3A_759 : i32
      %lt3A_761 = arith.constant 0 : i32
      %lt3A_762 = arith.cmpi slt, %rem3A_758, %lt3A_761 : i32
      %lt3A_763 = arith.constant 0 : i32
      %lt3A_764 = arith.cmpi slt, %select_n3A_757, %lt3A_763 : i32
      %ne3A_765 = arith.xori %lt3A_762, %lt3A_764 : i1
      %and3A_766 = arith.andi %ne3A_765, %ne3A_760 : i1
      %add3A_767 = arith.addi %rem3A_758, %select_n3A_757 : i32
      %select_n3A_768 = arith.select %and3A_766, %add3A_767, %rem3A_758 : i32
      %lt3A_769 = arith.constant 7 : i32
      %lt3A_770 = arith.cmpi slt, %select_n3A_768, %lt3A_769 : i32
      %convert_element_type3A = arith.extui %lt3A_770 : i1 to i32
      %cond3A = arith.constant 0 : i32
      %cond3A_771 = arith.cmpi ne, %convert_element_type3A, %cond3A : i32
      scf.if %cond3A_771 {
        %mul3A_1107 = arith.constant 128 : i32
        %mul3A_1108 = arith.muli %select_n3A_768, %mul3A_1107 : i32
        %mul3A_1109 = arith.constant 128 : i32
        %mul3A_1110 = arith.muli %select_n3A_752, %mul3A_1109 : i32
        %dma_start3A_1111 = tpu.memref_slice %arg4[%select_n3A_736, %mul3A_1108, %mul3A_1110] : memref<200x1000x1024xf32, #tpu.memory_space<hbm>> -> memref<1x128x128xf32, #tpu.memory_space<hbm>>
        %dma_start3A_1112 = tpu.memref_squeeze %dma_start3A_1111 : memref<1x128x128xf32, #tpu.memory_space<hbm>> -> memref<128x128xf32, #tpu.memory_space<hbm>>
        %dma_start3A_1113 = tpu.memref_slice %arg4[%select_n3A_736, %mul3A_1108, %mul3A_1110] : memref<200x1000x1024xf32, #tpu.memory_space<hbm>> -> memref<1x128x128xf32, #tpu.memory_space<hbm>>
        %dma_start3A_1114 = tpu.memref_squeeze %dma_start3A_1113 : memref<1x128x128xf32, #tpu.memory_space<hbm>> -> memref<128x128xf32, #tpu.memory_space<hbm>>
        tpu.enqueue_dma source(%arg9 : memref<128x128xf32, #tpu.memory_space<vmem>>) target(%dma_start3A_1114 : memref<128x128xf32, #tpu.memory_space<hbm>>) target_semaphore(%arg13 : memref<!tpu.dma_semaphore, #tpu.memory_space<semaphore_mem>>)
      } else {
      }
      %eq3A_772 = arith.constant 7 : i32
      %eq3A_773 = arith.cmpi eq, %select_n3A_768, %eq3A_772 : i32
      %convert_element_type3A_774 = arith.extui %eq3A_773 : i1 to i32
      %cond3A_775 = arith.constant 0 : i32
      %cond3A_776 = arith.cmpi ne, %convert_element_type3A_774, %cond3A_775 : i32
      scf.if %cond3A_776 {
        %mul3A_1107 = arith.constant 128 : i32
        %mul3A_1108 = arith.muli %select_n3A_752, %mul3A_1107 : i32
        %dma_start3A_1109 = arith.constant 0 : i32
        %dma_start3A_1110 = arith.constant 0 : i32
        %dma_start3A_1111 = tpu.memref_slice %arg9[%dma_start3A_1109, %dma_start3A_1110] : memref<128x128xf32, #tpu.memory_space<vmem>> -> memref<104x128xf32, #tpu.memory_space<vmem>>
        %dma_start3A_1112 = arith.constant 896 : i32
        %dma_start3A_1113 = tpu.memref_slice %arg4[%select_n3A_736, %dma_start3A_1112, %mul3A_1108] : memref<200x1000x1024xf32, #tpu.memory_space<hbm>> -> memref<1x104x128xf32, #tpu.memory_space<hbm>>
        %dma_start3A_1114 = tpu.memref_squeeze %dma_start3A_1113 : memref<1x104x128xf32, #tpu.memory_space<hbm>> -> memref<104x128xf32, #tpu.memory_space<hbm>>
        %dma_start3A_1115 = arith.constant 896 : i32
        %dma_start3A_1116 = tpu.memref_slice %arg4[%select_n3A_736, %dma_start3A_1115, %mul3A_1108] : memref<200x1000x1024xf32, #tpu.memory_space<hbm>> -> memref<1x104x128xf32, #tpu.memory_space<hbm>>
        %dma_start3A_1117 = tpu.memref_squeeze %dma_start3A_1116 : memref<1x104x128xf32, #tpu.memory_space<hbm>> -> memref<104x128xf32, #tpu.memory_space<hbm>>
        %dma_start3A_1118 = arith.constant 0 : i32
        %dma_start3A_1119 = arith.constant 0 : i32
        %dma_start3A_1120 = tpu.memref_slice %arg9[%dma_start3A_1118, %dma_start3A_1119] : memref<128x128xf32, #tpu.memory_space<vmem>> -> memref<104x128xf32, #tpu.memory_space<vmem>>
        tpu.enqueue_dma source(%dma_start3A_1120 : memref<104x128xf32, #tpu.memory_space<vmem>>) target(%dma_start3A_1117 : memref<104x128xf32, #tpu.memory_space<hbm>>) target_semaphore(%arg13 : memref<!tpu.dma_semaphore, #tpu.memory_space<semaphore_mem>>)
      } else {
      }
      %dma_wait3A_777 = arith.constant 0 : i32
      %dma_wait3A_778 = arith.constant 0 : i32
      %dma_wait3A_779 = tpu.memref_slice %arg3[%dma_wait3A_777, %dma_wait3A_778] : memref<8000x128xf32, #tpu.memory_space<hbm>> -> memref<128x128xf32, #tpu.memory_space<hbm>>
      %dma_wait3A_780 = arith.constant 0 : i32
      %dma_wait3A_781 = arith.constant 0 : i32
      %dma_wait3A_782 = tpu.memref_slice %arg3[%dma_wait3A_780, %dma_wait3A_781] : memref<8000x128xf32, #tpu.memory_space<hbm>> -> memref<128x128xf32, #tpu.memory_space<hbm>>
      tpu.wait_dma2 semaphore(%arg12 : memref<!tpu.dma_semaphore, #tpu.memory_space<semaphore_mem>>) src(%dma_wait3A_782 : memref<128x128xf32, #tpu.memory_space<hbm>>) dst(%arg8 : memref<128x128xf32, #tpu.memory_space<vmem>>)
      %scan3A_783 = arith.constant 0 : i32
      %scan3A_784 = arith.constant 0 : i32
      %scan3A_785 = arith.constant 128 : i32
      %scan3A_786 = arith.addi %scan3A_784, %scan3A_785 : i32
      %scan3A_787 = arith.constant 1 : i32
      scf.for %scan3A_1107 = %scan3A_784 to %scan3A_786 step %scan3A_787  : i32 {
        %broadcast_in_dim3A = vector.broadcast %scan3A_1107 : i32 to vector<16xi32>
        %gather3A = tpu.vector_load_idx %arg8[%add3A_3, %broadcast_in_dim3A] : memref<128x128xf32, #tpu.memory_space<vmem>>[vector<16xi32>, vector<16xi32>], vector<16xf32>,
        %swap3A_1108 = arith.index_cast %scan3A_1107 : i32 to index
        %swap3A_1109 = arith.constant 0 : index
        %swap3A_1110 = tpu.vector_load %arg10[%swap3A_1108, %swap3A_1109] {strides = array<i32>} : memref<128x128xf32, #tpu.memory_space<vmem>>, vector<16xf32>,
        tpu.vector_store %arg10[%swap3A_1108, %swap3A_1109], %gather3A {strides = array<i32>} : memref<128x128xf32, #tpu.memory_space<vmem>>, vector<16xf32>,
        %gather3A_1111 = tpu.vector_load_idx %arg8[%add3A_6, %broadcast_in_dim3A] : memref<128x128xf32, #tpu.memory_space<vmem>>[vector<16xi32>, vector<16xi32>], vector<16xf32>,
        %swap3A_1112 = arith.index_cast %scan3A_1107 : i32 to index
        %swap3A_1113 = arith.constant 16 : index
        %swap3A_1114 = tpu.vector_load %arg10[%swap3A_1112, %swap3A_1113] {strides = array<i32>} : memref<128x128xf32, #tpu.memory_space<vmem>>, vector<16xf32>,
        tpu.vector_store %arg10[%swap3A_1112, %swap3A_1113], %gather3A_1111 {strides = array<i32>} : memref<128x128xf32, #tpu.memory_space<vmem>>, vector<16xf32>,
        %gather3A_1115 = tpu.vector_load_idx %arg8[%add3A_9, %broadcast_in_dim3A] : memref<128x128xf32, #tpu.memory_space<vmem>>[vector<16xi32>, vector<16xi32>], vector<16xf32>,
        %swap3A_1116 = arith.index_cast %scan3A_1107 : i32 to index
        %swap3A_1117 = arith.constant 32 : index
        %swap3A_1118 = tpu.vector_load %arg10[%swap3A_1116, %swap3A_1117] {strides = array<i32>} : memref<128x128xf32, #tpu.memory_space<vmem>>, vector<16xf32>,
        tpu.vector_store %arg10[%swap3A_1116, %swap3A_1117], %gather3A_1115 {strides = array<i32>} : memref<128x128xf32, #tpu.memory_space<vmem>>, vector<16xf32>,
        %gather3A_1119 = tpu.vector_load_idx %arg8[%add3A_12, %broadcast_in_dim3A] : memref<128x128xf32, #tpu.memory_space<vmem>>[vector<16xi32>, vector<16xi32>], vector<16xf32>,
        %swap3A_1120 = arith.index_cast %scan3A_1107 : i32 to index
        %swap3A_1121 = arith.constant 48 : index
        %swap3A_1122 = tpu.vector_load %arg10[%swap3A_1120, %swap3A_1121] {strides = array<i32>} : memref<128x128xf32, #tpu.memory_space<vmem>>, vector<16xf32>,
        tpu.vector_store %arg10[%swap3A_1120, %swap3A_1121], %gather3A_1119 {strides = array<i32>} : memref<128x128xf32, #tpu.memory_space<vmem>>, vector<16xf32>,
        %gather3A_1123 = tpu.vector_load_idx %arg8[%add3A_15, %broadcast_in_dim3A] : memref<128x128xf32, #tpu.memory_space<vmem>>[vector<16xi32>, vector<16xi32>], vector<16xf32>,
        %swap3A_1124 = arith.index_cast %scan3A_1107 : i32 to index
        %swap3A_1125 = arith.constant 64 : index
        %swap3A_1126 = tpu.vector_load %arg10[%swap3A_1124, %swap3A_1125] {strides = array<i32>} : memref<128x128xf32, #tpu.memory_space<vmem>>, vector<16xf32>,
        tpu.vector_store %arg10[%swap3A_1124, %swap3A_1125], %gather3A_1123 {strides = array<i32>} : memref<128x128xf32, #tpu.memory_space<vmem>>, vector<16xf32>,
        %gather3A_1127 = tpu.vector_load_idx %arg8[%add3A_18, %broadcast_in_dim3A] : memref<128x128xf32, #tpu.memory_space<vmem>>[vector<16xi32>, vector<16xi32>], vector<16xf32>,
        %swap3A_1128 = arith.index_cast %scan3A_1107 : i32 to index
        %swap3A_1129 = arith.constant 80 : index
        %swap3A_1130 = tpu.vector_load %arg10[%swap3A_1128, %swap3A_1129] {strides = array<i32>} : memref<128x128xf32, #tpu.memory_space<vmem>>, vector<16xf32>,
        tpu.vector_store %arg10[%swap3A_1128, %swap3A_1129], %gather3A_1127 {strides = array<i32>} : memref<128x128xf32, #tpu.memory_space<vmem>>, vector<16xf32>,
        %gather3A_1131 = tpu.vector_load_idx %arg8[%add3A_21, %broadcast_in_dim3A] : memref<128x128xf32, #tpu.memory_space<vmem>>[vector<16xi32>, vector<16xi32>], vector<16xf32>,
        %swap3A_1132 = arith.index_cast %scan3A_1107 : i32 to index
        %swap3A_1133 = arith.constant 96 : index
        %swap3A_1134 = tpu.vector_load %arg10[%swap3A_1132, %swap3A_1133] {strides = array<i32>} : memref<128x128xf32, #tpu.memory_space<vmem>>, vector<16xf32>,
        tpu.vector_store %arg10[%swap3A_1132, %swap3A_1133], %gather3A_1131 {strides = array<i32>} : memref<128x128xf32, #tpu.memory_space<vmem>>, vector<16xf32>,
        %gather3A_1135 = tpu.vector_load_idx %arg8[%add3A_24, %broadcast_in_dim3A] : memref<128x128xf32, #tpu.memory_space<vmem>>[vector<16xi32>, vector<16xi32>], vector<16xf32>,
        %swap3A_1136 = arith.index_cast %scan3A_1107 : i32 to index
        %swap3A_1137 = arith.constant 112 : index
        %swap3A_1138 = tpu.vector_load %arg10[%swap3A_1136, %swap3A_1137] {strides = array<i32>} : memref<128x128xf32, #tpu.memory_space<vmem>>, vector<16xf32>,
        tpu.vector_store %arg10[%swap3A_1136, %swap3A_1137], %gather3A_1135 {strides = array<i32>} : memref<128x128xf32, #tpu.memory_space<vmem>>, vector<16xf32>,
      }
      %scan3A_788 = arith.constant 128 : i32
      %add3A_789 = arith.constant 1 : i32
      %add3A_790 = arith.addi %mul3A_583, %add3A_789 : i32
      %mul3A_791 = arith.constant 50 : i32
      %mul3A_792 = arith.muli %add3A, %mul3A_791 : i32
      %jit3A_793 = arith.constant 8 : i32
      %div3A_794 = arith.divsi %add3A_790, %jit3A_793 : i32
      %sign3A_795 = arith.constant 0 : i32
      %sign3A_796 = arith.cmpi sgt, %add3A_790, %sign3A_795 : i32
      %sign3A_797 = arith.extui %sign3A_796 : i1 to i32
      %sign3A_798 = arith.constant 0 : i32
      %sign3A_799 = arith.cmpi slt, %add3A_790, %sign3A_798 : i32
      %sign3A_800 = arith.extui %sign3A_799 : i1 to i32
      %sign3A_801 = arith.subi %sign3A_797, %sign3A_800 : i32
      %sign3A_802 = arith.constant 0 : i32
      %sign3A_803 = arith.cmpi sgt, %jit3A_793, %sign3A_802 : i32
      %sign3A_804 = arith.extui %sign3A_803 : i1 to i32
      %sign3A_805 = arith.constant 0 : i32
      %sign3A_806 = arith.cmpi slt, %jit3A_793, %sign3A_805 : i32
      %sign3A_807 = arith.extui %sign3A_806 : i1 to i32
      %sign3A_808 = arith.subi %sign3A_804, %sign3A_807 : i32
      %ne3A_809 = arith.cmpi ne, %sign3A_801, %sign3A_808 : i32
      %rem3A_810 = arith.remsi %add3A_790, %jit3A_793 : i32
      %ne3A_811 = arith.constant 0 : i32
      %ne3A_812 = arith.cmpi ne, %rem3A_810, %ne3A_811 : i32
      %and3A_813 = arith.andi %ne3A_809, %ne3A_812 : i1
      %sub3A_814 = arith.constant 1 : i32
      %sub3A_815 = arith.subi %div3A_794, %sub3A_814 : i32
      %select_n3A_816 = arith.select %and3A_813, %sub3A_815, %div3A_794 : i32
      %add3A_817 = arith.addi %mul3A_792, %select_n3A_816 : i32
      %jit3A_818 = arith.constant 8 : i32
      %div3A_819 = arith.divsi %add3A_817, %jit3A_818 : i32
      %sign3A_820 = arith.constant 0 : i32
      %sign3A_821 = arith.cmpi sgt, %add3A_817, %sign3A_820 : i32
      %sign3A_822 = arith.extui %sign3A_821 : i1 to i32
      %sign3A_823 = arith.constant 0 : i32
      %sign3A_824 = arith.cmpi slt, %add3A_817, %sign3A_823 : i32
      %sign3A_825 = arith.extui %sign3A_824 : i1 to i32
      %sign3A_826 = arith.subi %sign3A_822, %sign3A_825 : i32
      %sign3A_827 = arith.constant 0 : i32
      %sign3A_828 = arith.cmpi sgt, %jit3A_818, %sign3A_827 : i32
      %sign3A_829 = arith.extui %sign3A_828 : i1 to i32
      %sign3A_830 = arith.constant 0 : i32
      %sign3A_831 = arith.cmpi slt, %jit3A_818, %sign3A_830 : i32
      %sign3A_832 = arith.extui %sign3A_831 : i1 to i32
      %sign3A_833 = arith.subi %sign3A_829, %sign3A_832 : i32
      %ne3A_834 = arith.cmpi ne, %sign3A_826, %sign3A_833 : i32
      %rem3A_835 = arith.remsi %add3A_817, %jit3A_818 : i32
      %ne3A_836 = arith.constant 0 : i32
      %ne3A_837 = arith.cmpi ne, %rem3A_835, %ne3A_836 : i32
      %and3A_838 = arith.andi %ne3A_834, %ne3A_837 : i1
      %sub3A_839 = arith.constant 1 : i32
      %sub3A_840 = arith.subi %div3A_819, %sub3A_839 : i32
      %select_n3A_841 = arith.select %and3A_838, %sub3A_840, %div3A_819 : i32
      %jit3A_842 = arith.constant 8 : i32
      %eq3A_843 = arith.constant 0 : i32
      %eq3A_844 = arith.cmpi eq, %jit3A_842, %eq3A_843 : i32
      %jit3A_845 = arith.constant 1 : i32
      %select_n3A_846 = arith.select %eq3A_844, %jit3A_845, %jit3A_842 : i32
      %rem3A_847 = arith.remsi %add3A_817, %select_n3A_846 : i32
      %ne3A_848 = arith.constant 0 : i32
      %ne3A_849 = arith.cmpi ne, %rem3A_847, %ne3A_848 : i32
      %lt3A_850 = arith.constant 0 : i32
      %lt3A_851 = arith.cmpi slt, %rem3A_847, %lt3A_850 : i32
      %lt3A_852 = arith.constant 0 : i32
      %lt3A_853 = arith.cmpi slt, %select_n3A_846, %lt3A_852 : i32
      %ne3A_854 = arith.xori %lt3A_851, %lt3A_853 : i1
      %and3A_855 = arith.andi %ne3A_854, %ne3A_849 : i1
      %add3A_856 = arith.addi %rem3A_847, %select_n3A_846 : i32
      %select_n3A_857 = arith.select %and3A_855, %add3A_856, %rem3A_847 : i32
      %jit3A_858 = arith.constant 8 : i32
      %eq3A_859 = arith.constant 0 : i32
      %eq3A_860 = arith.cmpi eq, %jit3A_858, %eq3A_859 : i32
      %jit3A_861 = arith.constant 1 : i32
      %select_n3A_862 = arith.select %eq3A_860, %jit3A_861, %jit3A_858 : i32
      %rem3A_863 = arith.remsi %add3A_790, %select_n3A_862 : i32
      %ne3A_864 = arith.constant 0 : i32
      %ne3A_865 = arith.cmpi ne, %rem3A_863, %ne3A_864 : i32
      %lt3A_866 = arith.constant 0 : i32
      %lt3A_867 = arith.cmpi slt, %rem3A_863, %lt3A_866 : i32
      %lt3A_868 = arith.constant 0 : i32
      %lt3A_869 = arith.cmpi slt, %select_n3A_862, %lt3A_868 : i32
      %ne3A_870 = arith.xori %lt3A_867, %lt3A_869 : i1
      %and3A_871 = arith.andi %ne3A_870, %ne3A_865 : i1
      %add3A_872 = arith.addi %rem3A_863, %select_n3A_862 : i32
      %select_n3A_873 = arith.select %and3A_871, %add3A_872, %rem3A_863 : i32
      %lt3A_874 = arith.constant 7 : i32
      %lt3A_875 = arith.cmpi slt, %select_n3A_873, %lt3A_874 : i32
      %convert_element_type3A_876 = arith.extui %lt3A_875 : i1 to i32
      %cond3A_877 = arith.constant 0 : i32
      %cond3A_878 = arith.cmpi ne, %convert_element_type3A_876, %cond3A_877 : i32
      scf.if %cond3A_878 {
        %mul3A_1107 = arith.constant 128 : i32
        %mul3A_1108 = arith.muli %select_n3A_873, %mul3A_1107 : i32
        %mul3A_1109 = arith.constant 128 : i32
        %mul3A_1110 = arith.muli %select_n3A_857, %mul3A_1109 : i32
        %dma_start3A_1111 = tpu.memref_slice %arg4[%select_n3A_841, %mul3A_1108, %mul3A_1110] : memref<200x1000x1024xf32, #tpu.memory_space<hbm>> -> memref<1x128x128xf32, #tpu.memory_space<hbm>>
        %dma_start3A_1112 = tpu.memref_squeeze %dma_start3A_1111 : memref<1x128x128xf32, #tpu.memory_space<hbm>> -> memref<128x128xf32, #tpu.memory_space<hbm>>
        %dma_start3A_1113 = tpu.memref_slice %arg4[%select_n3A_841, %mul3A_1108, %mul3A_1110] : memref<200x1000x1024xf32, #tpu.memory_space<hbm>> -> memref<1x128x128xf32, #tpu.memory_space<hbm>>
        %dma_start3A_1114 = tpu.memref_squeeze %dma_start3A_1113 : memref<1x128x128xf32, #tpu.memory_space<hbm>> -> memref<128x128xf32, #tpu.memory_space<hbm>>
        tpu.enqueue_dma source(%arg10 : memref<128x128xf32, #tpu.memory_space<vmem>>) target(%dma_start3A_1114 : memref<128x128xf32, #tpu.memory_space<hbm>>) target_semaphore(%arg13 : memref<!tpu.dma_semaphore, #tpu.memory_space<semaphore_mem>>)
      } else {
      }
      %eq3A_879 = arith.constant 7 : i32
      %eq3A_880 = arith.cmpi eq, %select_n3A_873, %eq3A_879 : i32
      %convert_element_type3A_881 = arith.extui %eq3A_880 : i1 to i32
      %cond3A_882 = arith.constant 0 : i32
      %cond3A_883 = arith.cmpi ne, %convert_element_type3A_881, %cond3A_882 : i32
      scf.if %cond3A_883 {
        %mul3A_1107 = arith.constant 128 : i32
        %mul3A_1108 = arith.muli %select_n3A_857, %mul3A_1107 : i32
        %dma_start3A_1109 = arith.constant 0 : i32
        %dma_start3A_1110 = arith.constant 0 : i32
        %dma_start3A_1111 = tpu.memref_slice %arg10[%dma_start3A_1109, %dma_start3A_1110] : memref<128x128xf32, #tpu.memory_space<vmem>> -> memref<104x128xf32, #tpu.memory_space<vmem>>
        %dma_start3A_1112 = arith.constant 896 : i32
        %dma_start3A_1113 = tpu.memref_slice %arg4[%select_n3A_841, %dma_start3A_1112, %mul3A_1108] : memref<200x1000x1024xf32, #tpu.memory_space<hbm>> -> memref<1x104x128xf32, #tpu.memory_space<hbm>>
        %dma_start3A_1114 = tpu.memref_squeeze %dma_start3A_1113 : memref<1x104x128xf32, #tpu.memory_space<hbm>> -> memref<104x128xf32, #tpu.memory_space<hbm>>
        %dma_start3A_1115 = arith.constant 896 : i32
        %dma_start3A_1116 = tpu.memref_slice %arg4[%select_n3A_841, %dma_start3A_1115, %mul3A_1108] : memref<200x1000x1024xf32, #tpu.memory_space<hbm>> -> memref<1x104x128xf32, #tpu.memory_space<hbm>>
        %dma_start3A_1117 = tpu.memref_squeeze %dma_start3A_1116 : memref<1x104x128xf32, #tpu.memory_space<hbm>> -> memref<104x128xf32, #tpu.memory_space<hbm>>
        %dma_start3A_1118 = arith.constant 0 : i32
        %dma_start3A_1119 = arith.constant 0 : i32
        %dma_start3A_1120 = tpu.memref_slice %arg10[%dma_start3A_1118, %dma_start3A_1119] : memref<128x128xf32, #tpu.memory_space<vmem>> -> memref<104x128xf32, #tpu.memory_space<vmem>>
        tpu.enqueue_dma source(%dma_start3A_1120 : memref<104x128xf32, #tpu.memory_space<vmem>>) target(%dma_start3A_1117 : memref<104x128xf32, #tpu.memory_space<hbm>>) target_semaphore(%arg13 : memref<!tpu.dma_semaphore, #tpu.memory_space<semaphore_mem>>)
      } else {
      }
      %mul3A_884 = arith.constant 50 : i32
      %mul3A_885 = arith.muli %add3A, %mul3A_884 : i32
      %jit3A_886 = arith.constant 8 : i32
      %div3A_887 = arith.divsi %mul3A_583, %jit3A_886 : i32
      %sign3A_888 = arith.constant 0 : i32
      %sign3A_889 = arith.cmpi sgt, %mul3A_583, %sign3A_888 : i32
      %sign3A_890 = arith.extui %sign3A_889 : i1 to i32
      %sign3A_891 = arith.constant 0 : i32
      %sign3A_892 = arith.cmpi slt, %mul3A_583, %sign3A_891 : i32
      %sign3A_893 = arith.extui %sign3A_892 : i1 to i32
      %sign3A_894 = arith.subi %sign3A_890, %sign3A_893 : i32
      %sign3A_895 = arith.constant 0 : i32
      %sign3A_896 = arith.cmpi sgt, %jit3A_886, %sign3A_895 : i32
      %sign3A_897 = arith.extui %sign3A_896 : i1 to i32
      %sign3A_898 = arith.constant 0 : i32
      %sign3A_899 = arith.cmpi slt, %jit3A_886, %sign3A_898 : i32
      %sign3A_900 = arith.extui %sign3A_899 : i1 to i32
      %sign3A_901 = arith.subi %sign3A_897, %sign3A_900 : i32
      %ne3A_902 = arith.cmpi ne, %sign3A_894, %sign3A_901 : i32
      %rem3A_903 = arith.remsi %mul3A_583, %jit3A_886 : i32
      %ne3A_904 = arith.constant 0 : i32
      %ne3A_905 = arith.cmpi ne, %rem3A_903, %ne3A_904 : i32
      %and3A_906 = arith.andi %ne3A_902, %ne3A_905 : i1
      %sub3A_907 = arith.constant 1 : i32
      %sub3A_908 = arith.subi %div3A_887, %sub3A_907 : i32
      %select_n3A_909 = arith.select %and3A_906, %sub3A_908, %div3A_887 : i32
      %add3A_910 = arith.addi %mul3A_885, %select_n3A_909 : i32
      %jit3A_911 = arith.constant 8 : i32
      %div3A_912 = arith.divsi %add3A_910, %jit3A_911 : i32
      %sign3A_913 = arith.constant 0 : i32
      %sign3A_914 = arith.cmpi sgt, %add3A_910, %sign3A_913 : i32
      %sign3A_915 = arith.extui %sign3A_914 : i1 to i32
      %sign3A_916 = arith.constant 0 : i32
      %sign3A_917 = arith.cmpi slt, %add3A_910, %sign3A_916 : i32
      %sign3A_918 = arith.extui %sign3A_917 : i1 to i32
      %sign3A_919 = arith.subi %sign3A_915, %sign3A_918 : i32
      %sign3A_920 = arith.constant 0 : i32
      %sign3A_921 = arith.cmpi sgt, %jit3A_911, %sign3A_920 : i32
      %sign3A_922 = arith.extui %sign3A_921 : i1 to i32
      %sign3A_923 = arith.constant 0 : i32
      %sign3A_924 = arith.cmpi slt, %jit3A_911, %sign3A_923 : i32
      %sign3A_925 = arith.extui %sign3A_924 : i1 to i32
      %sign3A_926 = arith.subi %sign3A_922, %sign3A_925 : i32
      %ne3A_927 = arith.cmpi ne, %sign3A_919, %sign3A_926 : i32
      %rem3A_928 = arith.remsi %add3A_910, %jit3A_911 : i32
      %ne3A_929 = arith.constant 0 : i32
      %ne3A_930 = arith.cmpi ne, %rem3A_928, %ne3A_929 : i32
      %and3A_931 = arith.andi %ne3A_927, %ne3A_930 : i1
      %sub3A_932 = arith.constant 1 : i32
      %sub3A_933 = arith.subi %div3A_912, %sub3A_932 : i32
      %select_n3A_934 = arith.select %and3A_931, %sub3A_933, %div3A_912 : i32
      %jit3A_935 = arith.constant 8 : i32
      %eq3A_936 = arith.constant 0 : i32
      %eq3A_937 = arith.cmpi eq, %jit3A_935, %eq3A_936 : i32
      %jit3A_938 = arith.constant 1 : i32
      %select_n3A_939 = arith.select %eq3A_937, %jit3A_938, %jit3A_935 : i32
      %rem3A_940 = arith.remsi %add3A_910, %select_n3A_939 : i32
      %ne3A_941 = arith.constant 0 : i32
      %ne3A_942 = arith.cmpi ne, %rem3A_940, %ne3A_941 : i32
      %lt3A_943 = arith.constant 0 : i32
      %lt3A_944 = arith.cmpi slt, %rem3A_940, %lt3A_943 : i32
      %lt3A_945 = arith.constant 0 : i32
      %lt3A_946 = arith.cmpi slt, %select_n3A_939, %lt3A_945 : i32
      %ne3A_947 = arith.xori %lt3A_944, %lt3A_946 : i1
      %and3A_948 = arith.andi %ne3A_947, %ne3A_942 : i1
      %add3A_949 = arith.addi %rem3A_940, %select_n3A_939 : i32
      %select_n3A_950 = arith.select %and3A_948, %add3A_949, %rem3A_940 : i32
      %jit3A_951 = arith.constant 8 : i32
      %eq3A_952 = arith.constant 0 : i32
      %eq3A_953 = arith.cmpi eq, %jit3A_951, %eq3A_952 : i32
      %jit3A_954 = arith.constant 1 : i32
      %select_n3A_955 = arith.select %eq3A_953, %jit3A_954, %jit3A_951 : i32
      %rem3A_956 = arith.remsi %mul3A_583, %select_n3A_955 : i32
      %ne3A_957 = arith.constant 0 : i32
      %ne3A_958 = arith.cmpi ne, %rem3A_956, %ne3A_957 : i32
      %lt3A_959 = arith.constant 0 : i32
      %lt3A_960 = arith.cmpi slt, %rem3A_956, %lt3A_959 : i32
      %lt3A_961 = arith.constant 0 : i32
      %lt3A_962 = arith.cmpi slt, %select_n3A_955, %lt3A_961 : i32
      %ne3A_963 = arith.xori %lt3A_960, %lt3A_962 : i1
      %and3A_964 = arith.andi %ne3A_963, %ne3A_958 : i1
      %add3A_965 = arith.addi %rem3A_956, %select_n3A_955 : i32
      %select_n3A_966 = arith.select %and3A_964, %add3A_965, %rem3A_956 : i32
      %lt3A_967 = arith.constant 7 : i32
      %lt3A_968 = arith.cmpi slt, %select_n3A_966, %lt3A_967 : i32
      %convert_element_type3A_969 = arith.extui %lt3A_968 : i1 to i32
      %cond3A_970 = arith.constant 0 : i32
      %cond3A_971 = arith.cmpi ne, %convert_element_type3A_969, %cond3A_970 : i32
      scf.if %cond3A_971 {
        %dma_wait3A_1107 = arith.constant 0 : i32
        %dma_wait3A_1108 = arith.constant 0 : i32
        %dma_wait3A_1109 = tpu.memref_slice %arg3[%dma_wait3A_1107, %dma_wait3A_1108] : memref<8000x128xf32, #tpu.memory_space<hbm>> -> memref<128x128xf32, #tpu.memory_space<hbm>>
        %dma_wait3A_1110 = arith.constant 0 : i32
        %dma_wait3A_1111 = arith.constant 0 : i32
        %dma_wait3A_1112 = tpu.memref_slice %arg3[%dma_wait3A_1110, %dma_wait3A_1111] : memref<8000x128xf32, #tpu.memory_space<hbm>> -> memref<128x128xf32, #tpu.memory_space<hbm>>
        tpu.wait_dma2 semaphore(%arg13 : memref<!tpu.dma_semaphore, #tpu.memory_space<semaphore_mem>>) src(%dma_wait3A_1112 : memref<128x128xf32, #tpu.memory_space<hbm>>) dst(%arg9 : memref<128x128xf32, #tpu.memory_space<vmem>>)
      } else {
      }
      %eq3A_972 = arith.constant 7 : i32
      %eq3A_973 = arith.cmpi eq, %select_n3A_966, %eq3A_972 : i32
      %convert_element_type3A_974 = arith.extui %eq3A_973 : i1 to i32
      %cond3A_975 = arith.constant 0 : i32
      %cond3A_976 = arith.cmpi ne, %convert_element_type3A_974, %cond3A_975 : i32
      scf.if %cond3A_976 {
        %dma_wait3A_1107 = arith.constant 0 : i32
        %dma_wait3A_1108 = arith.constant 0 : i32
        %dma_wait3A_1109 = tpu.memref_slice %arg9[%dma_wait3A_1107, %dma_wait3A_1108] : memref<128x128xf32, #tpu.memory_space<vmem>> -> memref<104x128xf32, #tpu.memory_space<vmem>>
        %dma_wait3A_1110 = arith.constant 0 : i32
        %dma_wait3A_1111 = arith.constant 0 : i32
        %dma_wait3A_1112 = tpu.memref_slice %arg3[%dma_wait3A_1110, %dma_wait3A_1111] : memref<8000x128xf32, #tpu.memory_space<hbm>> -> memref<104x128xf32, #tpu.memory_space<hbm>>
        %dma_wait3A_1113 = arith.constant 0 : i32
        %dma_wait3A_1114 = arith.constant 0 : i32
        %dma_wait3A_1115 = tpu.memref_slice %arg9[%dma_wait3A_1113, %dma_wait3A_1114] : memref<128x128xf32, #tpu.memory_space<vmem>> -> memref<104x128xf32, #tpu.memory_space<vmem>>
        %dma_wait3A_1116 = arith.constant 0 : i32
        %dma_wait3A_1117 = arith.constant 0 : i32
        %dma_wait3A_1118 = tpu.memref_slice %arg3[%dma_wait3A_1116, %dma_wait3A_1117] : memref<8000x128xf32, #tpu.memory_space<hbm>> -> memref<104x128xf32, #tpu.memory_space<hbm>>
        tpu.wait_dma2 semaphore(%arg13 : memref<!tpu.dma_semaphore, #tpu.memory_space<semaphore_mem>>) src(%dma_wait3A_1118 : memref<104x128xf32, #tpu.memory_space<hbm>>) dst(%dma_wait3A_1115 : memref<104x128xf32, #tpu.memory_space<vmem>>)
      } else {
      }
      %add3A_977 = arith.constant 2 : i32
      %add3A_978 = arith.addi %mul3A_583, %add3A_977 : i32
      %jit3A_979 = arith.constant 8 : i32
      %eq3A_980 = arith.constant 0 : i32
      %eq3A_981 = arith.cmpi eq, %jit3A_979, %eq3A_980 : i32
      %jit3A_982 = arith.constant 1 : i32
      %select_n3A_983 = arith.select %eq3A_981, %jit3A_982, %jit3A_979 : i32
      %rem3A_984 = arith.remsi %add3A_978, %select_n3A_983 : i32
      %ne3A_985 = arith.constant 0 : i32
      %ne3A_986 = arith.cmpi ne, %rem3A_984, %ne3A_985 : i32
      %lt3A_987 = arith.constant 0 : i32
      %lt3A_988 = arith.cmpi slt, %rem3A_984, %lt3A_987 : i32
      %lt3A_989 = arith.constant 0 : i32
      %lt3A_990 = arith.cmpi slt, %select_n3A_983, %lt3A_989 : i32
      %ne3A_991 = arith.xori %lt3A_988, %lt3A_990 : i1
      %and3A_992 = arith.andi %ne3A_991, %ne3A_986 : i1
      %add3A_993 = arith.addi %rem3A_984, %select_n3A_983 : i32
      %select_n3A_994 = arith.select %and3A_992, %add3A_993, %rem3A_984 : i32
      %eq3A_995 = arith.constant 0 : i32
      %eq3A_996 = arith.cmpi eq, %select_n3A_994, %eq3A_995 : i32
      %add3A_997 = arith.constant 1 : i32
      %add3A_998 = arith.addi %scan3A_581, %add3A_997 : i32
      %lt3A_999 = arith.constant 200 : i32
      %lt3A_1000 = arith.cmpi slt, %add3A_998, %lt3A_999 : i32
      %and3A_1001 = arith.andi %eq3A_996, %lt3A_1000 : i1
      %convert_element_type3A_1002 = arith.extui %and3A_1001 : i1 to i32
      %cond3A_1003 = arith.constant 0 : i32
      %cond3A_1004 = arith.cmpi ne, %convert_element_type3A_1002, %cond3A_1003 : i32
      scf.if %cond3A_1004 {
        %add3A_1107 = arith.constant 2 : i32
        %add3A_1108 = arith.addi %mul3A_583, %add3A_1107 : i32
        %mul3A_1109 = arith.constant 50 : i32
        %mul3A_1110 = arith.muli %add3A, %mul3A_1109 : i32
        %jit3A_1111 = arith.constant 8 : i32
        %div3A_1112 = arith.divsi %add3A_1108, %jit3A_1111 : i32
        %sign3A_1113 = arith.constant 0 : i32
        %sign3A_1114 = arith.cmpi sgt, %add3A_1108, %sign3A_1113 : i32
        %sign3A_1115 = arith.extui %sign3A_1114 : i1 to i32
        %sign3A_1116 = arith.constant 0 : i32
        %sign3A_1117 = arith.cmpi slt, %add3A_1108, %sign3A_1116 : i32
        %sign3A_1118 = arith.extui %sign3A_1117 : i1 to i32
        %sign3A_1119 = arith.subi %sign3A_1115, %sign3A_1118 : i32
        %sign3A_1120 = arith.constant 0 : i32
        %sign3A_1121 = arith.cmpi sgt, %jit3A_1111, %sign3A_1120 : i32
        %sign3A_1122 = arith.extui %sign3A_1121 : i1 to i32
        %sign3A_1123 = arith.constant 0 : i32
        %sign3A_1124 = arith.cmpi slt, %jit3A_1111, %sign3A_1123 : i32
        %sign3A_1125 = arith.extui %sign3A_1124 : i1 to i32
        %sign3A_1126 = arith.subi %sign3A_1122, %sign3A_1125 : i32
        %ne3A_1127 = arith.cmpi ne, %sign3A_1119, %sign3A_1126 : i32
        %rem3A_1128 = arith.remsi %add3A_1108, %jit3A_1111 : i32
        %ne3A_1129 = arith.constant 0 : i32
        %ne3A_1130 = arith.cmpi ne, %rem3A_1128, %ne3A_1129 : i32
        %and3A_1131 = arith.andi %ne3A_1127, %ne3A_1130 : i1
        %sub3A_1132 = arith.constant 1 : i32
        %sub3A_1133 = arith.subi %div3A_1112, %sub3A_1132 : i32
        %select_n3A_1134 = arith.select %and3A_1131, %sub3A_1133, %div3A_1112 : i32
        %add3A_1135 = arith.addi %mul3A_1110, %select_n3A_1134 : i32
        %jit3A_1136 = arith.constant 8 : i32
        %div3A_1137 = arith.divsi %add3A_1135, %jit3A_1136 : i32
        %sign3A_1138 = arith.constant 0 : i32
        %sign3A_1139 = arith.cmpi sgt, %add3A_1135, %sign3A_1138 : i32
        %sign3A_1140 = arith.extui %sign3A_1139 : i1 to i32
        %sign3A_1141 = arith.constant 0 : i32
        %sign3A_1142 = arith.cmpi slt, %add3A_1135, %sign3A_1141 : i32
        %sign3A_1143 = arith.extui %sign3A_1142 : i1 to i32
        %sign3A_1144 = arith.subi %sign3A_1140, %sign3A_1143 : i32
        %sign3A_1145 = arith.constant 0 : i32
        %sign3A_1146 = arith.cmpi sgt, %jit3A_1136, %sign3A_1145 : i32
        %sign3A_1147 = arith.extui %sign3A_1146 : i1 to i32
        %sign3A_1148 = arith.constant 0 : i32
        %sign3A_1149 = arith.cmpi slt, %jit3A_1136, %sign3A_1148 : i32
        %sign3A_1150 = arith.extui %sign3A_1149 : i1 to i32
        %sign3A_1151 = arith.subi %sign3A_1147, %sign3A_1150 : i32
        %ne3A_1152 = arith.cmpi ne, %sign3A_1144, %sign3A_1151 : i32
        %rem3A_1153 = arith.remsi %add3A_1135, %jit3A_1136 : i32
        %ne3A_1154 = arith.constant 0 : i32
        %ne3A_1155 = arith.cmpi ne, %rem3A_1153, %ne3A_1154 : i32
        %and3A_1156 = arith.andi %ne3A_1152, %ne3A_1155 : i1
        %sub3A_1157 = arith.constant 1 : i32
        %sub3A_1158 = arith.subi %div3A_1137, %sub3A_1157 : i32
        %select_n3A_1159 = arith.select %and3A_1156, %sub3A_1158, %div3A_1137 : i32
        %jit3A_1160 = arith.constant 8 : i32
        %eq3A_1161 = arith.constant 0 : i32
        %eq3A_1162 = arith.cmpi eq, %jit3A_1160, %eq3A_1161 : i32
        %jit3A_1163 = arith.constant 1 : i32
        %select_n3A_1164 = arith.select %eq3A_1162, %jit3A_1163, %jit3A_1160 : i32
        %rem3A_1165 = arith.remsi %add3A_1135, %select_n3A_1164 : i32
        %ne3A_1166 = arith.constant 0 : i32
        %ne3A_1167 = arith.cmpi ne, %rem3A_1165, %ne3A_1166 : i32
        %lt3A_1168 = arith.constant 0 : i32
        %lt3A_1169 = arith.cmpi slt, %rem3A_1165, %lt3A_1168 : i32
        %lt3A_1170 = arith.constant 0 : i32
        %lt3A_1171 = arith.cmpi slt, %select_n3A_1164, %lt3A_1170 : i32
        %ne3A_1172 = arith.xori %lt3A_1169, %lt3A_1171 : i1
        %and3A_1173 = arith.andi %ne3A_1172, %ne3A_1167 : i1
        %add3A_1174 = arith.addi %rem3A_1165, %select_n3A_1164 : i32
        %select_n3A_1175 = arith.select %and3A_1173, %add3A_1174, %rem3A_1165 : i32
        %jit3A_1176 = arith.constant 8 : i32
        %eq3A_1177 = arith.constant 0 : i32
        %eq3A_1178 = arith.cmpi eq, %jit3A_1176, %eq3A_1177 : i32
        %jit3A_1179 = arith.constant 1 : i32
        %select_n3A_1180 = arith.select %eq3A_1178, %jit3A_1179, %jit3A_1176 : i32
        %rem3A_1181 = arith.remsi %add3A_1108, %select_n3A_1180 : i32
        %ne3A_1182 = arith.constant 0 : i32
        %ne3A_1183 = arith.cmpi ne, %rem3A_1181, %ne3A_1182 : i32
        %lt3A_1184 = arith.constant 0 : i32
        %lt3A_1185 = arith.cmpi slt, %rem3A_1181, %lt3A_1184 : i32
        %lt3A_1186 = arith.constant 0 : i32
        %lt3A_1187 = arith.cmpi slt, %select_n3A_1180, %lt3A_1186 : i32
        %ne3A_1188 = arith.xori %lt3A_1185, %lt3A_1187 : i1
        %and3A_1189 = arith.andi %ne3A_1188, %ne3A_1183 : i1
        %add3A_1190 = arith.addi %rem3A_1181, %select_n3A_1180 : i32
        %select_n3A_1191 = arith.select %and3A_1189, %add3A_1190, %rem3A_1181 : i32
        %mul3A_1192 = arith.constant 1024 : i32
        %mul3A_1193 = arith.muli %select_n3A_1159, %mul3A_1192 : i32
        %mul3A_1194 = arith.constant 128 : i32
        %mul3A_1195 = arith.muli %select_n3A_1175, %mul3A_1194 : i32
        %add3A_1196 = arith.addi %mul3A_1193, %mul3A_1195 : i32
        "tpu.region"() ({
          %run_scoped3A = tpu.sem_alloc : memref<!tpu.dma_semaphore, #tpu.memory_space<semaphore_mem>>
          %dma_start3A_1661 = tpu.memref_slice %arg2[%add3A_1196] : memref<204800xi32, #tpu.memory_space<hbm>> -> memref<128xi32, #tpu.memory_space<hbm>>
          %dma_start3A_1662 = tpu.memref_slice %arg2[%add3A_1196] : memref<204800xi32, #tpu.memory_space<hbm>> -> memref<128xi32, #tpu.memory_space<hbm>>
          tpu.enqueue_dma source(%dma_start3A_1662 : memref<128xi32, #tpu.memory_space<hbm>>) target(%arg5 : memref<128xi32, #tpu.memory_space<vmem>>) target_semaphore(%run_scoped3A : memref<!tpu.dma_semaphore, #tpu.memory_space<semaphore_mem>>)
          %dma_wait3A_1663 = tpu.memref_slice %arg2[%add3A_1196] : memref<204800xi32, #tpu.memory_space<hbm>> -> memref<128xi32, #tpu.memory_space<hbm>>
          %dma_wait3A_1664 = tpu.memref_slice %arg2[%add3A_1196] : memref<204800xi32, #tpu.memory_space<hbm>> -> memref<128xi32, #tpu.memory_space<hbm>>
          tpu.wait_dma2 semaphore(%run_scoped3A : memref<!tpu.dma_semaphore, #tpu.memory_space<semaphore_mem>>) src(%dma_wait3A_1664 : memref<128xi32, #tpu.memory_space<hbm>>) dst(%arg5 : memref<128xi32, #tpu.memory_space<vmem>>)
          tpu.yield
        }) : () -> ()
        %get3A_1197 = arith.constant 0 : index
        %get3A_1198 = tpu.vector_load %arg5[%get3A_1197] {strides = array<i32>} : memref<128xi32, #tpu.memory_space<vmem>>, vector<16xi32>,
        %add3A_1199 = arith.constant 0 : i32
        %add3A_1200 = vector.broadcast %add3A_1199 : i32 to vector<16xi32>
        %add3A_1201 = arith.addi %get3A_1198, %add3A_1200 : vector<16xi32>
        %swap3A_1202 = arith.constant 0 : i32
        %swap3A_1203 = arith.index_cast %swap3A_1202 : i32 to index
        %swap3A_1204 = arith.constant 0 : index
        %swap3A_1205 = tpu.vector_load %arg6[%swap3A_1203, %swap3A_1204] {strides = array<i32>} : memref<8x128xi32, #tpu.memory_space<vmem>>, vector<16xi32>,
        tpu.vector_store %arg6[%swap3A_1203, %swap3A_1204], %add3A_1201 {strides = array<i32>} : memref<8x128xi32, #tpu.memory_space<vmem>>, vector<16xi32>,
        %add3A_1206 = arith.constant 1000 : i32
        %add3A_1207 = vector.broadcast %add3A_1206 : i32 to vector<16xi32>
        %add3A_1208 = arith.addi %get3A_1198, %add3A_1207 : vector<16xi32>
        %swap3A_1209 = arith.constant 1 : i32
        %swap3A_1210 = arith.index_cast %swap3A_1209 : i32 to index
        %swap3A_1211 = arith.constant 0 : index
        %swap3A_1212 = tpu.vector_load %arg6[%swap3A_1210, %swap3A_1211] {strides = array<i32>} : memref<8x128xi32, #tpu.memory_space<vmem>>, vector<16xi32>,
        tpu.vector_store %arg6[%swap3A_1210, %swap3A_1211], %add3A_1208 {strides = array<i32>} : memref<8x128xi32, #tpu.memory_space<vmem>>, vector<16xi32>,
        %add3A_1213 = arith.constant 2000 : i32
        %add3A_1214 = vector.broadcast %add3A_1213 : i32 to vector<16xi32>
        %add3A_1215 = arith.addi %get3A_1198, %add3A_1214 : vector<16xi32>
        %swap3A_1216 = arith.constant 2 : i32
        %swap3A_1217 = arith.index_cast %swap3A_1216 : i32 to index
        %swap3A_1218 = arith.constant 0 : index
        %swap3A_1219 = tpu.vector_load %arg6[%swap3A_1217, %swap3A_1218] {strides = array<i32>} : memref<8x128xi32, #tpu.memory_space<vmem>>, vector<16xi32>,
        tpu.vector_store %arg6[%swap3A_1217, %swap3A_1218], %add3A_1215 {strides = array<i32>} : memref<8x128xi32, #tpu.memory_space<vmem>>, vector<16xi32>,
        %add3A_1220 = arith.constant 3000 : i32
        %add3A_1221 = vector.broadcast %add3A_1220 : i32 to vector<16xi32>
        %add3A_1222 = arith.addi %get3A_1198, %add3A_1221 : vector<16xi32>
        %swap3A_1223 = arith.constant 3 : i32
        %swap3A_1224 = arith.index_cast %swap3A_1223 : i32 to index
        %swap3A_1225 = arith.constant 0 : index
        %swap3A_1226 = tpu.vector_load %arg6[%swap3A_1224, %swap3A_1225] {strides = array<i32>} : memref<8x128xi32, #tpu.memory_space<vmem>>, vector<16xi32>,
        tpu.vector_store %arg6[%swap3A_1224, %swap3A_1225], %add3A_1222 {strides = array<i32>} : memref<8x128xi32, #tpu.memory_space<vmem>>, vector<16xi32>,
        %add3A_1227 = arith.constant 4000 : i32
        %add3A_1228 = vector.broadcast %add3A_1227 : i32 to vector<16xi32>
        %add3A_1229 = arith.addi %get3A_1198, %add3A_1228 : vector<16xi32>
        %swap3A_1230 = arith.constant 4 : i32
        %swap3A_1231 = arith.index_cast %swap3A_1230 : i32 to index
        %swap3A_1232 = arith.constant 0 : index
        %swap3A_1233 = tpu.vector_load %arg6[%swap3A_1231, %swap3A_1232] {strides = array<i32>} : memref<8x128xi32, #tpu.memory_space<vmem>>, vector<16xi32>,
        tpu.vector_store %arg6[%swap3A_1231, %swap3A_1232], %add3A_1229 {strides = array<i32>} : memref<8x128xi32, #tpu.memory_space<vmem>>, vector<16xi32>,
        %add3A_1234 = arith.constant 5000 : i32
        %add3A_1235 = vector.broadcast %add3A_1234 : i32 to vector<16xi32>
        %add3A_1236 = arith.addi %get3A_1198, %add3A_1235 : vector<16xi32>
        %swap3A_1237 = arith.constant 5 : i32
        %swap3A_1238 = arith.index_cast %swap3A_1237 : i32 to index
        %swap3A_1239 = arith.constant 0 : index
        %swap3A_1240 = tpu.vector_load %arg6[%swap3A_1238, %swap3A_1239] {strides = array<i32>} : memref<8x128xi32, #tpu.memory_space<vmem>>, vector<16xi32>,
        tpu.vector_store %arg6[%swap3A_1238, %swap3A_1239], %add3A_1236 {strides = array<i32>} : memref<8x128xi32, #tpu.memory_space<vmem>>, vector<16xi32>,
        %add3A_1241 = arith.constant 6000 : i32
        %add3A_1242 = vector.broadcast %add3A_1241 : i32 to vector<16xi32>
        %add3A_1243 = arith.addi %get3A_1198, %add3A_1242 : vector<16xi32>
        %swap3A_1244 = arith.constant 6 : i32
        %swap3A_1245 = arith.index_cast %swap3A_1244 : i32 to index
        %swap3A_1246 = arith.constant 0 : index
        %swap3A_1247 = tpu.vector_load %arg6[%swap3A_1245, %swap3A_1246] {strides = array<i32>} : memref<8x128xi32, #tpu.memory_space<vmem>>, vector<16xi32>,
        tpu.vector_store %arg6[%swap3A_1245, %swap3A_1246], %add3A_1243 {strides = array<i32>} : memref<8x128xi32, #tpu.memory_space<vmem>>, vector<16xi32>,
        %add3A_1248 = arith.constant 7000 : i32
        %add3A_1249 = vector.broadcast %add3A_1248 : i32 to vector<16xi32>
        %add3A_1250 = arith.addi %get3A_1198, %add3A_1249 : vector<16xi32>
        %swap3A_1251 = arith.constant 7 : i32
        %swap3A_1252 = arith.index_cast %swap3A_1251 : i32 to index
        %swap3A_1253 = arith.constant 0 : index
        %swap3A_1254 = tpu.vector_load %arg6[%swap3A_1252, %swap3A_1253] {strides = array<i32>} : memref<8x128xi32, #tpu.memory_space<vmem>>, vector<16xi32>,
        tpu.vector_store %arg6[%swap3A_1252, %swap3A_1253], %add3A_1250 {strides = array<i32>} : memref<8x128xi32, #tpu.memory_space<vmem>>, vector<16xi32>,
        %get3A_1255 = arith.constant 16 : index
        %get3A_1256 = tpu.vector_load %arg5[%get3A_1255] {strides = array<i32>} : memref<128xi32, #tpu.memory_space<vmem>>, vector<16xi32>,
        %add3A_1257 = arith.constant 0 : i32
        %add3A_1258 = vector.broadcast %add3A_1257 : i32 to vector<16xi32>
        %add3A_1259 = arith.addi %get3A_1256, %add3A_1258 : vector<16xi32>
        %swap3A_1260 = arith.constant 0 : i32
        %swap3A_1261 = arith.index_cast %swap3A_1260 : i32 to index
        %swap3A_1262 = arith.constant 16 : index
        %swap3A_1263 = tpu.vector_load %arg6[%swap3A_1261, %swap3A_1262] {strides = array<i32>} : memref<8x128xi32, #tpu.memory_space<vmem>>, vector<16xi32>,
        tpu.vector_store %arg6[%swap3A_1261, %swap3A_1262], %add3A_1259 {strides = array<i32>} : memref<8x128xi32, #tpu.memory_space<vmem>>, vector<16xi32>,
        %add3A_1264 = arith.constant 1000 : i32
        %add3A_1265 = vector.broadcast %add3A_1264 : i32 to vector<16xi32>
        %add3A_1266 = arith.addi %get3A_1256, %add3A_1265 : vector<16xi32>
        %swap3A_1267 = arith.constant 1 : i32
        %swap3A_1268 = arith.index_cast %swap3A_1267 : i32 to index
        %swap3A_1269 = arith.constant 16 : index
        %swap3A_1270 = tpu.vector_load %arg6[%swap3A_1268, %swap3A_1269] {strides = array<i32>} : memref<8x128xi32, #tpu.memory_space<vmem>>, vector<16xi32>,
        tpu.vector_store %arg6[%swap3A_1268, %swap3A_1269], %add3A_1266 {strides = array<i32>} : memref<8x128xi32, #tpu.memory_space<vmem>>, vector<16xi32>,
        %add3A_1271 = arith.constant 2000 : i32
        %add3A_1272 = vector.broadcast %add3A_1271 : i32 to vector<16xi32>
        %add3A_1273 = arith.addi %get3A_1256, %add3A_1272 : vector<16xi32>
        %swap3A_1274 = arith.constant 2 : i32
        %swap3A_1275 = arith.index_cast %swap3A_1274 : i32 to index
        %swap3A_1276 = arith.constant 16 : index
        %swap3A_1277 = tpu.vector_load %arg6[%swap3A_1275, %swap3A_1276] {strides = array<i32>} : memref<8x128xi32, #tpu.memory_space<vmem>>, vector<16xi32>,
        tpu.vector_store %arg6[%swap3A_1275, %swap3A_1276], %add3A_1273 {strides = array<i32>} : memref<8x128xi32, #tpu.memory_space<vmem>>, vector<16xi32>,
        %add3A_1278 = arith.constant 3000 : i32
        %add3A_1279 = vector.broadcast %add3A_1278 : i32 to vector<16xi32>
        %add3A_1280 = arith.addi %get3A_1256, %add3A_1279 : vector<16xi32>
        %swap3A_1281 = arith.constant 3 : i32
        %swap3A_1282 = arith.index_cast %swap3A_1281 : i32 to index
        %swap3A_1283 = arith.constant 16 : index
        %swap3A_1284 = tpu.vector_load %arg6[%swap3A_1282, %swap3A_1283] {strides = array<i32>} : memref<8x128xi32, #tpu.memory_space<vmem>>, vector<16xi32>,
        tpu.vector_store %arg6[%swap3A_1282, %swap3A_1283], %add3A_1280 {strides = array<i32>} : memref<8x128xi32, #tpu.memory_space<vmem>>, vector<16xi32>,
        %add3A_1285 = arith.constant 4000 : i32
        %add3A_1286 = vector.broadcast %add3A_1285 : i32 to vector<16xi32>
        %add3A_1287 = arith.addi %get3A_1256, %add3A_1286 : vector<16xi32>
        %swap3A_1288 = arith.constant 4 : i32
        %swap3A_1289 = arith.index_cast %swap3A_1288 : i32 to index
        %swap3A_1290 = arith.constant 16 : index
        %swap3A_1291 = tpu.vector_load %arg6[%swap3A_1289, %swap3A_1290] {strides = array<i32>} : memref<8x128xi32, #tpu.memory_space<vmem>>, vector<16xi32>,
        tpu.vector_store %arg6[%swap3A_1289, %swap3A_1290], %add3A_1287 {strides = array<i32>} : memref<8x128xi32, #tpu.memory_space<vmem>>, vector<16xi32>,
        %add3A_1292 = arith.constant 5000 : i32
        %add3A_1293 = vector.broadcast %add3A_1292 : i32 to vector<16xi32>
        %add3A_1294 = arith.addi %get3A_1256, %add3A_1293 : vector<16xi32>
        %swap3A_1295 = arith.constant 5 : i32
        %swap3A_1296 = arith.index_cast %swap3A_1295 : i32 to index
        %swap3A_1297 = arith.constant 16 : index
        %swap3A_1298 = tpu.vector_load %arg6[%swap3A_1296, %swap3A_1297] {strides = array<i32>} : memref<8x128xi32, #tpu.memory_space<vmem>>, vector<16xi32>,
        tpu.vector_store %arg6[%swap3A_1296, %swap3A_1297], %add3A_1294 {strides = array<i32>} : memref<8x128xi32, #tpu.memory_space<vmem>>, vector<16xi32>,
        %add3A_1299 = arith.constant 6000 : i32
        %add3A_1300 = vector.broadcast %add3A_1299 : i32 to vector<16xi32>
        %add3A_1301 = arith.addi %get3A_1256, %add3A_1300 : vector<16xi32>
        %swap3A_1302 = arith.constant 6 : i32
        %swap3A_1303 = arith.index_cast %swap3A_1302 : i32 to index
        %swap3A_1304 = arith.constant 16 : index
        %swap3A_1305 = tpu.vector_load %arg6[%swap3A_1303, %swap3A_1304] {strides = array<i32>} : memref<8x128xi32, #tpu.memory_space<vmem>>, vector<16xi32>,
        tpu.vector_store %arg6[%swap3A_1303, %swap3A_1304], %add3A_1301 {strides = array<i32>} : memref<8x128xi32, #tpu.memory_space<vmem>>, vector<16xi32>,
        %add3A_1306 = arith.constant 7000 : i32
        %add3A_1307 = vector.broadcast %add3A_1306 : i32 to vector<16xi32>
        %add3A_1308 = arith.addi %get3A_1256, %add3A_1307 : vector<16xi32>
        %swap3A_1309 = arith.constant 7 : i32
        %swap3A_1310 = arith.index_cast %swap3A_1309 : i32 to index
        %swap3A_1311 = arith.constant 16 : index
        %swap3A_1312 = tpu.vector_load %arg6[%swap3A_1310, %swap3A_1311] {strides = array<i32>} : memref<8x128xi32, #tpu.memory_space<vmem>>, vector<16xi32>,
        tpu.vector_store %arg6[%swap3A_1310, %swap3A_1311], %add3A_1308 {strides = array<i32>} : memref<8x128xi32, #tpu.memory_space<vmem>>, vector<16xi32>,
        %get3A_1313 = arith.constant 32 : index
        %get3A_1314 = tpu.vector_load %arg5[%get3A_1313] {strides = array<i32>} : memref<128xi32, #tpu.memory_space<vmem>>, vector<16xi32>,
        %add3A_1315 = arith.constant 0 : i32
        %add3A_1316 = vector.broadcast %add3A_1315 : i32 to vector<16xi32>
        %add3A_1317 = arith.addi %get3A_1314, %add3A_1316 : vector<16xi32>
        %swap3A_1318 = arith.constant 0 : i32
        %swap3A_1319 = arith.index_cast %swap3A_1318 : i32 to index
        %swap3A_1320 = arith.constant 32 : index
        %swap3A_1321 = tpu.vector_load %arg6[%swap3A_1319, %swap3A_1320] {strides = array<i32>} : memref<8x128xi32, #tpu.memory_space<vmem>>, vector<16xi32>,
        tpu.vector_store %arg6[%swap3A_1319, %swap3A_1320], %add3A_1317 {strides = array<i32>} : memref<8x128xi32, #tpu.memory_space<vmem>>, vector<16xi32>,
        %add3A_1322 = arith.constant 1000 : i32
        %add3A_1323 = vector.broadcast %add3A_1322 : i32 to vector<16xi32>
        %add3A_1324 = arith.addi %get3A_1314, %add3A_1323 : vector<16xi32>
        %swap3A_1325 = arith.constant 1 : i32
        %swap3A_1326 = arith.index_cast %swap3A_1325 : i32 to index
        %swap3A_1327 = arith.constant 32 : index
        %swap3A_1328 = tpu.vector_load %arg6[%swap3A_1326, %swap3A_1327] {strides = array<i32>} : memref<8x128xi32, #tpu.memory_space<vmem>>, vector<16xi32>,
        tpu.vector_store %arg6[%swap3A_1326, %swap3A_1327], %add3A_1324 {strides = array<i32>} : memref<8x128xi32, #tpu.memory_space<vmem>>, vector<16xi32>,
        %add3A_1329 = arith.constant 2000 : i32
        %add3A_1330 = vector.broadcast %add3A_1329 : i32 to vector<16xi32>
        %add3A_1331 = arith.addi %get3A_1314, %add3A_1330 : vector<16xi32>
        %swap3A_1332 = arith.constant 2 : i32
        %swap3A_1333 = arith.index_cast %swap3A_1332 : i32 to index
        %swap3A_1334 = arith.constant 32 : index
        %swap3A_1335 = tpu.vector_load %arg6[%swap3A_1333, %swap3A_1334] {strides = array<i32>} : memref<8x128xi32, #tpu.memory_space<vmem>>, vector<16xi32>,
        tpu.vector_store %arg6[%swap3A_1333, %swap3A_1334], %add3A_1331 {strides = array<i32>} : memref<8x128xi32, #tpu.memory_space<vmem>>, vector<16xi32>,
        %add3A_1336 = arith.constant 3000 : i32
        %add3A_1337 = vector.broadcast %add3A_1336 : i32 to vector<16xi32>
        %add3A_1338 = arith.addi %get3A_1314, %add3A_1337 : vector<16xi32>
        %swap3A_1339 = arith.constant 3 : i32
        %swap3A_1340 = arith.index_cast %swap3A_1339 : i32 to index
        %swap3A_1341 = arith.constant 32 : index
        %swap3A_1342 = tpu.vector_load %arg6[%swap3A_1340, %swap3A_1341] {strides = array<i32>} : memref<8x128xi32, #tpu.memory_space<vmem>>, vector<16xi32>,
        tpu.vector_store %arg6[%swap3A_1340, %swap3A_1341], %add3A_1338 {strides = array<i32>} : memref<8x128xi32, #tpu.memory_space<vmem>>, vector<16xi32>,
        %add3A_1343 = arith.constant 4000 : i32
        %add3A_1344 = vector.broadcast %add3A_1343 : i32 to vector<16xi32>
        %add3A_1345 = arith.addi %get3A_1314, %add3A_1344 : vector<16xi32>
        %swap3A_1346 = arith.constant 4 : i32
        %swap3A_1347 = arith.index_cast %swap3A_1346 : i32 to index
        %swap3A_1348 = arith.constant 32 : index
        %swap3A_1349 = tpu.vector_load %arg6[%swap3A_1347, %swap3A_1348] {strides = array<i32>} : memref<8x128xi32, #tpu.memory_space<vmem>>, vector<16xi32>,
        tpu.vector_store %arg6[%swap3A_1347, %swap3A_1348], %add3A_1345 {strides = array<i32>} : memref<8x128xi32, #tpu.memory_space<vmem>>, vector<16xi32>,
        %add3A_1350 = arith.constant 5000 : i32
        %add3A_1351 = vector.broadcast %add3A_1350 : i32 to vector<16xi32>
        %add3A_1352 = arith.addi %get3A_1314, %add3A_1351 : vector<16xi32>
        %swap3A_1353 = arith.constant 5 : i32
        %swap3A_1354 = arith.index_cast %swap3A_1353 : i32 to index
        %swap3A_1355 = arith.constant 32 : index
        %swap3A_1356 = tpu.vector_load %arg6[%swap3A_1354, %swap3A_1355] {strides = array<i32>} : memref<8x128xi32, #tpu.memory_space<vmem>>, vector<16xi32>,
        tpu.vector_store %arg6[%swap3A_1354, %swap3A_1355], %add3A_1352 {strides = array<i32>} : memref<8x128xi32, #tpu.memory_space<vmem>>, vector<16xi32>,
        %add3A_1357 = arith.constant 6000 : i32
        %add3A_1358 = vector.broadcast %add3A_1357 : i32 to vector<16xi32>
        %add3A_1359 = arith.addi %get3A_1314, %add3A_1358 : vector<16xi32>
        %swap3A_1360 = arith.constant 6 : i32
        %swap3A_1361 = arith.index_cast %swap3A_1360 : i32 to index
        %swap3A_1362 = arith.constant 32 : index
        %swap3A_1363 = tpu.vector_load %arg6[%swap3A_1361, %swap3A_1362] {strides = array<i32>} : memref<8x128xi32, #tpu.memory_space<vmem>>, vector<16xi32>,
        tpu.vector_store %arg6[%swap3A_1361, %swap3A_1362], %add3A_1359 {strides = array<i32>} : memref<8x128xi32, #tpu.memory_space<vmem>>, vector<16xi32>,
        %add3A_1364 = arith.constant 7000 : i32
        %add3A_1365 = vector.broadcast %add3A_1364 : i32 to vector<16xi32>
        %add3A_1366 = arith.addi %get3A_1314, %add3A_1365 : vector<16xi32>
        %swap3A_1367 = arith.constant 7 : i32
        %swap3A_1368 = arith.index_cast %swap3A_1367 : i32 to index
        %swap3A_1369 = arith.constant 32 : index
        %swap3A_1370 = tpu.vector_load %arg6[%swap3A_1368, %swap3A_1369] {strides = array<i32>} : memref<8x128xi32, #tpu.memory_space<vmem>>, vector<16xi32>,
        tpu.vector_store %arg6[%swap3A_1368, %swap3A_1369], %add3A_1366 {strides = array<i32>} : memref<8x128xi32, #tpu.memory_space<vmem>>, vector<16xi32>,
        %get3A_1371 = arith.constant 48 : index
        %get3A_1372 = tpu.vector_load %arg5[%get3A_1371] {strides = array<i32>} : memref<128xi32, #tpu.memory_space<vmem>>, vector<16xi32>,
        %add3A_1373 = arith.constant 0 : i32
        %add3A_1374 = vector.broadcast %add3A_1373 : i32 to vector<16xi32>
        %add3A_1375 = arith.addi %get3A_1372, %add3A_1374 : vector<16xi32>
        %swap3A_1376 = arith.constant 0 : i32
        %swap3A_1377 = arith.index_cast %swap3A_1376 : i32 to index
        %swap3A_1378 = arith.constant 48 : index
        %swap3A_1379 = tpu.vector_load %arg6[%swap3A_1377, %swap3A_1378] {strides = array<i32>} : memref<8x128xi32, #tpu.memory_space<vmem>>, vector<16xi32>,
        tpu.vector_store %arg6[%swap3A_1377, %swap3A_1378], %add3A_1375 {strides = array<i32>} : memref<8x128xi32, #tpu.memory_space<vmem>>, vector<16xi32>,
        %add3A_1380 = arith.constant 1000 : i32
        %add3A_1381 = vector.broadcast %add3A_1380 : i32 to vector<16xi32>
        %add3A_1382 = arith.addi %get3A_1372, %add3A_1381 : vector<16xi32>
        %swap3A_1383 = arith.constant 1 : i32
        %swap3A_1384 = arith.index_cast %swap3A_1383 : i32 to index
        %swap3A_1385 = arith.constant 48 : index
        %swap3A_1386 = tpu.vector_load %arg6[%swap3A_1384, %swap3A_1385] {strides = array<i32>} : memref<8x128xi32, #tpu.memory_space<vmem>>, vector<16xi32>,
        tpu.vector_store %arg6[%swap3A_1384, %swap3A_1385], %add3A_1382 {strides = array<i32>} : memref<8x128xi32, #tpu.memory_space<vmem>>, vector<16xi32>,
        %add3A_1387 = arith.constant 2000 : i32
        %add3A_1388 = vector.broadcast %add3A_1387 : i32 to vector<16xi32>
        %add3A_1389 = arith.addi %get3A_1372, %add3A_1388 : vector<16xi32>
        %swap3A_1390 = arith.constant 2 : i32
        %swap3A_1391 = arith.index_cast %swap3A_1390 : i32 to index
        %swap3A_1392 = arith.constant 48 : index
        %swap3A_1393 = tpu.vector_load %arg6[%swap3A_1391, %swap3A_1392] {strides = array<i32>} : memref<8x128xi32, #tpu.memory_space<vmem>>, vector<16xi32>,
        tpu.vector_store %arg6[%swap3A_1391, %swap3A_1392], %add3A_1389 {strides = array<i32>} : memref<8x128xi32, #tpu.memory_space<vmem>>, vector<16xi32>,
        %add3A_1394 = arith.constant 3000 : i32
        %add3A_1395 = vector.broadcast %add3A_1394 : i32 to vector<16xi32>
        %add3A_1396 = arith.addi %get3A_1372, %add3A_1395 : vector<16xi32>
        %swap3A_1397 = arith.constant 3 : i32
        %swap3A_1398 = arith.index_cast %swap3A_1397 : i32 to index
        %swap3A_1399 = arith.constant 48 : index
        %swap3A_1400 = tpu.vector_load %arg6[%swap3A_1398, %swap3A_1399] {strides = array<i32>} : memref<8x128xi32, #tpu.memory_space<vmem>>, vector<16xi32>,
        tpu.vector_store %arg6[%swap3A_1398, %swap3A_1399], %add3A_1396 {strides = array<i32>} : memref<8x128xi32, #tpu.memory_space<vmem>>, vector<16xi32>,
        %add3A_1401 = arith.constant 4000 : i32
        %add3A_1402 = vector.broadcast %add3A_1401 : i32 to vector<16xi32>
        %add3A_1403 = arith.addi %get3A_1372, %add3A_1402 : vector<16xi32>
        %swap3A_1404 = arith.constant 4 : i32
        %swap3A_1405 = arith.index_cast %swap3A_1404 : i32 to index
        %swap3A_1406 = arith.constant 48 : index
        %swap3A_1407 = tpu.vector_load %arg6[%swap3A_1405, %swap3A_1406] {strides = array<i32>} : memref<8x128xi32, #tpu.memory_space<vmem>>, vector<16xi32>,
        tpu.vector_store %arg6[%swap3A_1405, %swap3A_1406], %add3A_1403 {strides = array<i32>} : memref<8x128xi32, #tpu.memory_space<vmem>>, vector<16xi32>,
        %add3A_1408 = arith.constant 5000 : i32
        %add3A_1409 = vector.broadcast %add3A_1408 : i32 to vector<16xi32>
        %add3A_1410 = arith.addi %get3A_1372, %add3A_1409 : vector<16xi32>
        %swap3A_1411 = arith.constant 5 : i32
        %swap3A_1412 = arith.index_cast %swap3A_1411 : i32 to index
        %swap3A_1413 = arith.constant 48 : index
        %swap3A_1414 = tpu.vector_load %arg6[%swap3A_1412, %swap3A_1413] {strides = array<i32>} : memref<8x128xi32, #tpu.memory_space<vmem>>, vector<16xi32>,
        tpu.vector_store %arg6[%swap3A_1412, %swap3A_1413], %add3A_1410 {strides = array<i32>} : memref<8x128xi32, #tpu.memory_space<vmem>>, vector<16xi32>,
        %add3A_1415 = arith.constant 6000 : i32
        %add3A_1416 = vector.broadcast %add3A_1415 : i32 to vector<16xi32>
        %add3A_1417 = arith.addi %get3A_1372, %add3A_1416 : vector<16xi32>
        %swap3A_1418 = arith.constant 6 : i32
        %swap3A_1419 = arith.index_cast %swap3A_1418 : i32 to index
        %swap3A_1420 = arith.constant 48 : index
        %swap3A_1421 = tpu.vector_load %arg6[%swap3A_1419, %swap3A_1420] {strides = array<i32>} : memref<8x128xi32, #tpu.memory_space<vmem>>, vector<16xi32>,
        tpu.vector_store %arg6[%swap3A_1419, %swap3A_1420], %add3A_1417 {strides = array<i32>} : memref<8x128xi32, #tpu.memory_space<vmem>>, vector<16xi32>,
        %add3A_1422 = arith.constant 7000 : i32
        %add3A_1423 = vector.broadcast %add3A_1422 : i32 to vector<16xi32>
        %add3A_1424 = arith.addi %get3A_1372, %add3A_1423 : vector<16xi32>
        %swap3A_1425 = arith.constant 7 : i32
        %swap3A_1426 = arith.index_cast %swap3A_1425 : i32 to index
        %swap3A_1427 = arith.constant 48 : index
        %swap3A_1428 = tpu.vector_load %arg6[%swap3A_1426, %swap3A_1427] {strides = array<i32>} : memref<8x128xi32, #tpu.memory_space<vmem>>, vector<16xi32>,
        tpu.vector_store %arg6[%swap3A_1426, %swap3A_1427], %add3A_1424 {strides = array<i32>} : memref<8x128xi32, #tpu.memory_space<vmem>>, vector<16xi32>,
        %get3A_1429 = arith.constant 64 : index
        %get3A_1430 = tpu.vector_load %arg5[%get3A_1429] {strides = array<i32>} : memref<128xi32, #tpu.memory_space<vmem>>, vector<16xi32>,
        %add3A_1431 = arith.constant 0 : i32
        %add3A_1432 = vector.broadcast %add3A_1431 : i32 to vector<16xi32>
        %add3A_1433 = arith.addi %get3A_1430, %add3A_1432 : vector<16xi32>
        %swap3A_1434 = arith.constant 0 : i32
        %swap3A_1435 = arith.index_cast %swap3A_1434 : i32 to index
        %swap3A_1436 = arith.constant 64 : index
        %swap3A_1437 = tpu.vector_load %arg6[%swap3A_1435, %swap3A_1436] {strides = array<i32>} : memref<8x128xi32, #tpu.memory_space<vmem>>, vector<16xi32>,
        tpu.vector_store %arg6[%swap3A_1435, %swap3A_1436], %add3A_1433 {strides = array<i32>} : memref<8x128xi32, #tpu.memory_space<vmem>>, vector<16xi32>,
        %add3A_1438 = arith.constant 1000 : i32
        %add3A_1439 = vector.broadcast %add3A_1438 : i32 to vector<16xi32>
        %add3A_1440 = arith.addi %get3A_1430, %add3A_1439 : vector<16xi32>
        %swap3A_1441 = arith.constant 1 : i32
        %swap3A_1442 = arith.index_cast %swap3A_1441 : i32 to index
        %swap3A_1443 = arith.constant 64 : index
        %swap3A_1444 = tpu.vector_load %arg6[%swap3A_1442, %swap3A_1443] {strides = array<i32>} : memref<8x128xi32, #tpu.memory_space<vmem>>, vector<16xi32>,
        tpu.vector_store %arg6[%swap3A_1442, %swap3A_1443], %add3A_1440 {strides = array<i32>} : memref<8x128xi32, #tpu.memory_space<vmem>>, vector<16xi32>,
        %add3A_1445 = arith.constant 2000 : i32
        %add3A_1446 = vector.broadcast %add3A_1445 : i32 to vector<16xi32>
        %add3A_1447 = arith.addi %get3A_1430, %add3A_1446 : vector<16xi32>
        %swap3A_1448 = arith.constant 2 : i32
        %swap3A_1449 = arith.index_cast %swap3A_1448 : i32 to index
        %swap3A_1450 = arith.constant 64 : index
        %swap3A_1451 = tpu.vector_load %arg6[%swap3A_1449, %swap3A_1450] {strides = array<i32>} : memref<8x128xi32, #tpu.memory_space<vmem>>, vector<16xi32>,
        tpu.vector_store %arg6[%swap3A_1449, %swap3A_1450], %add3A_1447 {strides = array<i32>} : memref<8x128xi32, #tpu.memory_space<vmem>>, vector<16xi32>,
        %add3A_1452 = arith.constant 3000 : i32
        %add3A_1453 = vector.broadcast %add3A_1452 : i32 to vector<16xi32>
        %add3A_1454 = arith.addi %get3A_1430, %add3A_1453 : vector<16xi32>
        %swap3A_1455 = arith.constant 3 : i32
        %swap3A_1456 = arith.index_cast %swap3A_1455 : i32 to index
        %swap3A_1457 = arith.constant 64 : index
        %swap3A_1458 = tpu.vector_load %arg6[%swap3A_1456, %swap3A_1457] {strides = array<i32>} : memref<8x128xi32, #tpu.memory_space<vmem>>, vector<16xi32>,
        tpu.vector_store %arg6[%swap3A_1456, %swap3A_1457], %add3A_1454 {strides = array<i32>} : memref<8x128xi32, #tpu.memory_space<vmem>>, vector<16xi32>,
        %add3A_1459 = arith.constant 4000 : i32
        %add3A_1460 = vector.broadcast %add3A_1459 : i32 to vector<16xi32>
        %add3A_1461 = arith.addi %get3A_1430, %add3A_1460 : vector<16xi32>
        %swap3A_1462 = arith.constant 4 : i32
        %swap3A_1463 = arith.index_cast %swap3A_1462 : i32 to index
        %swap3A_1464 = arith.constant 64 : index
        %swap3A_1465 = tpu.vector_load %arg6[%swap3A_1463, %swap3A_1464] {strides = array<i32>} : memref<8x128xi32, #tpu.memory_space<vmem>>, vector<16xi32>,
        tpu.vector_store %arg6[%swap3A_1463, %swap3A_1464], %add3A_1461 {strides = array<i32>} : memref<8x128xi32, #tpu.memory_space<vmem>>, vector<16xi32>,
        %add3A_1466 = arith.constant 5000 : i32
        %add3A_1467 = vector.broadcast %add3A_1466 : i32 to vector<16xi32>
        %add3A_1468 = arith.addi %get3A_1430, %add3A_1467 : vector<16xi32>
        %swap3A_1469 = arith.constant 5 : i32
        %swap3A_1470 = arith.index_cast %swap3A_1469 : i32 to index
        %swap3A_1471 = arith.constant 64 : index
        %swap3A_1472 = tpu.vector_load %arg6[%swap3A_1470, %swap3A_1471] {strides = array<i32>} : memref<8x128xi32, #tpu.memory_space<vmem>>, vector<16xi32>,
        tpu.vector_store %arg6[%swap3A_1470, %swap3A_1471], %add3A_1468 {strides = array<i32>} : memref<8x128xi32, #tpu.memory_space<vmem>>, vector<16xi32>,
        %add3A_1473 = arith.constant 6000 : i32
        %add3A_1474 = vector.broadcast %add3A_1473 : i32 to vector<16xi32>
        %add3A_1475 = arith.addi %get3A_1430, %add3A_1474 : vector<16xi32>
        %swap3A_1476 = arith.constant 6 : i32
        %swap3A_1477 = arith.index_cast %swap3A_1476 : i32 to index
        %swap3A_1478 = arith.constant 64 : index
        %swap3A_1479 = tpu.vector_load %arg6[%swap3A_1477, %swap3A_1478] {strides = array<i32>} : memref<8x128xi32, #tpu.memory_space<vmem>>, vector<16xi32>,
        tpu.vector_store %arg6[%swap3A_1477, %swap3A_1478], %add3A_1475 {strides = array<i32>} : memref<8x128xi32, #tpu.memory_space<vmem>>, vector<16xi32>,
        %add3A_1480 = arith.constant 7000 : i32
        %add3A_1481 = vector.broadcast %add3A_1480 : i32 to vector<16xi32>
        %add3A_1482 = arith.addi %get3A_1430, %add3A_1481 : vector<16xi32>
        %swap3A_1483 = arith.constant 7 : i32
        %swap3A_1484 = arith.index_cast %swap3A_1483 : i32 to index
        %swap3A_1485 = arith.constant 64 : index
        %swap3A_1486 = tpu.vector_load %arg6[%swap3A_1484, %swap3A_1485] {strides = array<i32>} : memref<8x128xi32, #tpu.memory_space<vmem>>, vector<16xi32>,
        tpu.vector_store %arg6[%swap3A_1484, %swap3A_1485], %add3A_1482 {strides = array<i32>} : memref<8x128xi32, #tpu.memory_space<vmem>>, vector<16xi32>,
        %get3A_1487 = arith.constant 80 : index
        %get3A_1488 = tpu.vector_load %arg5[%get3A_1487] {strides = array<i32>} : memref<128xi32, #tpu.memory_space<vmem>>, vector<16xi32>,
        %add3A_1489 = arith.constant 0 : i32
        %add3A_1490 = vector.broadcast %add3A_1489 : i32 to vector<16xi32>
        %add3A_1491 = arith.addi %get3A_1488, %add3A_1490 : vector<16xi32>
        %swap3A_1492 = arith.constant 0 : i32
        %swap3A_1493 = arith.index_cast %swap3A_1492 : i32 to index
        %swap3A_1494 = arith.constant 80 : index
        %swap3A_1495 = tpu.vector_load %arg6[%swap3A_1493, %swap3A_1494] {strides = array<i32>} : memref<8x128xi32, #tpu.memory_space<vmem>>, vector<16xi32>,
        tpu.vector_store %arg6[%swap3A_1493, %swap3A_1494], %add3A_1491 {strides = array<i32>} : memref<8x128xi32, #tpu.memory_space<vmem>>, vector<16xi32>,
        %add3A_1496 = arith.constant 1000 : i32
        %add3A_1497 = vector.broadcast %add3A_1496 : i32 to vector<16xi32>
        %add3A_1498 = arith.addi %get3A_1488, %add3A_1497 : vector<16xi32>
        %swap3A_1499 = arith.constant 1 : i32
        %swap3A_1500 = arith.index_cast %swap3A_1499 : i32 to index
        %swap3A_1501 = arith.constant 80 : index
        %swap3A_1502 = tpu.vector_load %arg6[%swap3A_1500, %swap3A_1501] {strides = array<i32>} : memref<8x128xi32, #tpu.memory_space<vmem>>, vector<16xi32>,
        tpu.vector_store %arg6[%swap3A_1500, %swap3A_1501], %add3A_1498 {strides = array<i32>} : memref<8x128xi32, #tpu.memory_space<vmem>>, vector<16xi32>,
        %add3A_1503 = arith.constant 2000 : i32
        %add3A_1504 = vector.broadcast %add3A_1503 : i32 to vector<16xi32>
        %add3A_1505 = arith.addi %get3A_1488, %add3A_1504 : vector<16xi32>
        %swap3A_1506 = arith.constant 2 : i32
        %swap3A_1507 = arith.index_cast %swap3A_1506 : i32 to index
        %swap3A_1508 = arith.constant 80 : index
        %swap3A_1509 = tpu.vector_load %arg6[%swap3A_1507, %swap3A_1508] {strides = array<i32>} : memref<8x128xi32, #tpu.memory_space<vmem>>, vector<16xi32>,
        tpu.vector_store %arg6[%swap3A_1507, %swap3A_1508], %add3A_1505 {strides = array<i32>} : memref<8x128xi32, #tpu.memory_space<vmem>>, vector<16xi32>,
        %add3A_1510 = arith.constant 3000 : i32
        %add3A_1511 = vector.broadcast %add3A_1510 : i32 to vector<16xi32>
        %add3A_1512 = arith.addi %get3A_1488, %add3A_1511 : vector<16xi32>
        %swap3A_1513 = arith.constant 3 : i32
        %swap3A_1514 = arith.index_cast %swap3A_1513 : i32 to index
        %swap3A_1515 = arith.constant 80 : index
        %swap3A_1516 = tpu.vector_load %arg6[%swap3A_1514, %swap3A_1515] {strides = array<i32>} : memref<8x128xi32, #tpu.memory_space<vmem>>, vector<16xi32>,
        tpu.vector_store %arg6[%swap3A_1514, %swap3A_1515], %add3A_1512 {strides = array<i32>} : memref<8x128xi32, #tpu.memory_space<vmem>>, vector<16xi32>,
        %add3A_1517 = arith.constant 4000 : i32
        %add3A_1518 = vector.broadcast %add3A_1517 : i32 to vector<16xi32>
        %add3A_1519 = arith.addi %get3A_1488, %add3A_1518 : vector<16xi32>
        %swap3A_1520 = arith.constant 4 : i32
        %swap3A_1521 = arith.index_cast %swap3A_1520 : i32 to index
        %swap3A_1522 = arith.constant 80 : index
        %swap3A_1523 = tpu.vector_load %arg6[%swap3A_1521, %swap3A_1522] {strides = array<i32>} : memref<8x128xi32, #tpu.memory_space<vmem>>, vector<16xi32>,
        tpu.vector_store %arg6[%swap3A_1521, %swap3A_1522], %add3A_1519 {strides = array<i32>} : memref<8x128xi32, #tpu.memory_space<vmem>>, vector<16xi32>,
        %add3A_1524 = arith.constant 5000 : i32
        %add3A_1525 = vector.broadcast %add3A_1524 : i32 to vector<16xi32>
        %add3A_1526 = arith.addi %get3A_1488, %add3A_1525 : vector<16xi32>
        %swap3A_1527 = arith.constant 5 : i32
        %swap3A_1528 = arith.index_cast %swap3A_1527 : i32 to index
        %swap3A_1529 = arith.constant 80 : index
        %swap3A_1530 = tpu.vector_load %arg6[%swap3A_1528, %swap3A_1529] {strides = array<i32>} : memref<8x128xi32, #tpu.memory_space<vmem>>, vector<16xi32>,
        tpu.vector_store %arg6[%swap3A_1528, %swap3A_1529], %add3A_1526 {strides = array<i32>} : memref<8x128xi32, #tpu.memory_space<vmem>>, vector<16xi32>,
        %add3A_1531 = arith.constant 6000 : i32
        %add3A_1532 = vector.broadcast %add3A_1531 : i32 to vector<16xi32>
        %add3A_1533 = arith.addi %get3A_1488, %add3A_1532 : vector<16xi32>
        %swap3A_1534 = arith.constant 6 : i32
        %swap3A_1535 = arith.index_cast %swap3A_1534 : i32 to index
        %swap3A_1536 = arith.constant 80 : index
        %swap3A_1537 = tpu.vector_load %arg6[%swap3A_1535, %swap3A_1536] {strides = array<i32>} : memref<8x128xi32, #tpu.memory_space<vmem>>, vector<16xi32>,
        tpu.vector_store %arg6[%swap3A_1535, %swap3A_1536], %add3A_1533 {strides = array<i32>} : memref<8x128xi32, #tpu.memory_space<vmem>>, vector<16xi32>,
        %add3A_1538 = arith.constant 7000 : i32
        %add3A_1539 = vector.broadcast %add3A_1538 : i32 to vector<16xi32>
        %add3A_1540 = arith.addi %get3A_1488, %add3A_1539 : vector<16xi32>
        %swap3A_1541 = arith.constant 7 : i32
        %swap3A_1542 = arith.index_cast %swap3A_1541 : i32 to index
        %swap3A_1543 = arith.constant 80 : index
        %swap3A_1544 = tpu.vector_load %arg6[%swap3A_1542, %swap3A_1543] {strides = array<i32>} : memref<8x128xi32, #tpu.memory_space<vmem>>, vector<16xi32>,
        tpu.vector_store %arg6[%swap3A_1542, %swap3A_1543], %add3A_1540 {strides = array<i32>} : memref<8x128xi32, #tpu.memory_space<vmem>>, vector<16xi32>,
        %get3A_1545 = arith.constant 96 : index
        %get3A_1546 = tpu.vector_load %arg5[%get3A_1545] {strides = array<i32>} : memref<128xi32, #tpu.memory_space<vmem>>, vector<16xi32>,
        %add3A_1547 = arith.constant 0 : i32
        %add3A_1548 = vector.broadcast %add3A_1547 : i32 to vector<16xi32>
        %add3A_1549 = arith.addi %get3A_1546, %add3A_1548 : vector<16xi32>
        %swap3A_1550 = arith.constant 0 : i32
        %swap3A_1551 = arith.index_cast %swap3A_1550 : i32 to index
        %swap3A_1552 = arith.constant 96 : index
        %swap3A_1553 = tpu.vector_load %arg6[%swap3A_1551, %swap3A_1552] {strides = array<i32>} : memref<8x128xi32, #tpu.memory_space<vmem>>, vector<16xi32>,
        tpu.vector_store %arg6[%swap3A_1551, %swap3A_1552], %add3A_1549 {strides = array<i32>} : memref<8x128xi32, #tpu.memory_space<vmem>>, vector<16xi32>,
        %add3A_1554 = arith.constant 1000 : i32
        %add3A_1555 = vector.broadcast %add3A_1554 : i32 to vector<16xi32>
        %add3A_1556 = arith.addi %get3A_1546, %add3A_1555 : vector<16xi32>
        %swap3A_1557 = arith.constant 1 : i32
        %swap3A_1558 = arith.index_cast %swap3A_1557 : i32 to index
        %swap3A_1559 = arith.constant 96 : index
        %swap3A_1560 = tpu.vector_load %arg6[%swap3A_1558, %swap3A_1559] {strides = array<i32>} : memref<8x128xi32, #tpu.memory_space<vmem>>, vector<16xi32>,
        tpu.vector_store %arg6[%swap3A_1558, %swap3A_1559], %add3A_1556 {strides = array<i32>} : memref<8x128xi32, #tpu.memory_space<vmem>>, vector<16xi32>,
        %add3A_1561 = arith.constant 2000 : i32
        %add3A_1562 = vector.broadcast %add3A_1561 : i32 to vector<16xi32>
        %add3A_1563 = arith.addi %get3A_1546, %add3A_1562 : vector<16xi32>
        %swap3A_1564 = arith.constant 2 : i32
        %swap3A_1565 = arith.index_cast %swap3A_1564 : i32 to index
        %swap3A_1566 = arith.constant 96 : index
        %swap3A_1567 = tpu.vector_load %arg6[%swap3A_1565, %swap3A_1566] {strides = array<i32>} : memref<8x128xi32, #tpu.memory_space<vmem>>, vector<16xi32>,
        tpu.vector_store %arg6[%swap3A_1565, %swap3A_1566], %add3A_1563 {strides = array<i32>} : memref<8x128xi32, #tpu.memory_space<vmem>>, vector<16xi32>,
        %add3A_1568 = arith.constant 3000 : i32
        %add3A_1569 = vector.broadcast %add3A_1568 : i32 to vector<16xi32>
        %add3A_1570 = arith.addi %get3A_1546, %add3A_1569 : vector<16xi32>
        %swap3A_1571 = arith.constant 3 : i32
        %swap3A_1572 = arith.index_cast %swap3A_1571 : i32 to index
        %swap3A_1573 = arith.constant 96 : index
        %swap3A_1574 = tpu.vector_load %arg6[%swap3A_1572, %swap3A_1573] {strides = array<i32>} : memref<8x128xi32, #tpu.memory_space<vmem>>, vector<16xi32>,
        tpu.vector_store %arg6[%swap3A_1572, %swap3A_1573], %add3A_1570 {strides = array<i32>} : memref<8x128xi32, #tpu.memory_space<vmem>>, vector<16xi32>,
        %add3A_1575 = arith.constant 4000 : i32
        %add3A_1576 = vector.broadcast %add3A_1575 : i32 to vector<16xi32>
        %add3A_1577 = arith.addi %get3A_1546, %add3A_1576 : vector<16xi32>
        %swap3A_1578 = arith.constant 4 : i32
        %swap3A_1579 = arith.index_cast %swap3A_1578 : i32 to index
        %swap3A_1580 = arith.constant 96 : index
        %swap3A_1581 = tpu.vector_load %arg6[%swap3A_1579, %swap3A_1580] {strides = array<i32>} : memref<8x128xi32, #tpu.memory_space<vmem>>, vector<16xi32>,
        tpu.vector_store %arg6[%swap3A_1579, %swap3A_1580], %add3A_1577 {strides = array<i32>} : memref<8x128xi32, #tpu.memory_space<vmem>>, vector<16xi32>,
        %add3A_1582 = arith.constant 5000 : i32
        %add3A_1583 = vector.broadcast %add3A_1582 : i32 to vector<16xi32>
        %add3A_1584 = arith.addi %get3A_1546, %add3A_1583 : vector<16xi32>
        %swap3A_1585 = arith.constant 5 : i32
        %swap3A_1586 = arith.index_cast %swap3A_1585 : i32 to index
        %swap3A_1587 = arith.constant 96 : index
        %swap3A_1588 = tpu.vector_load %arg6[%swap3A_1586, %swap3A_1587] {strides = array<i32>} : memref<8x128xi32, #tpu.memory_space<vmem>>, vector<16xi32>,
        tpu.vector_store %arg6[%swap3A_1586, %swap3A_1587], %add3A_1584 {strides = array<i32>} : memref<8x128xi32, #tpu.memory_space<vmem>>, vector<16xi32>,
        %add3A_1589 = arith.constant 6000 : i32
        %add3A_1590 = vector.broadcast %add3A_1589 : i32 to vector<16xi32>
        %add3A_1591 = arith.addi %get3A_1546, %add3A_1590 : vector<16xi32>
        %swap3A_1592 = arith.constant 6 : i32
        %swap3A_1593 = arith.index_cast %swap3A_1592 : i32 to index
        %swap3A_1594 = arith.constant 96 : index
        %swap3A_1595 = tpu.vector_load %arg6[%swap3A_1593, %swap3A_1594] {strides = array<i32>} : memref<8x128xi32, #tpu.memory_space<vmem>>, vector<16xi32>,
        tpu.vector_store %arg6[%swap3A_1593, %swap3A_1594], %add3A_1591 {strides = array<i32>} : memref<8x128xi32, #tpu.memory_space<vmem>>, vector<16xi32>,
        %add3A_1596 = arith.constant 7000 : i32
        %add3A_1597 = vector.broadcast %add3A_1596 : i32 to vector<16xi32>
        %add3A_1598 = arith.addi %get3A_1546, %add3A_1597 : vector<16xi32>
        %swap3A_1599 = arith.constant 7 : i32
        %swap3A_1600 = arith.index_cast %swap3A_1599 : i32 to index
        %swap3A_1601 = arith.constant 96 : index
        %swap3A_1602 = tpu.vector_load %arg6[%swap3A_1600, %swap3A_1601] {strides = array<i32>} : memref<8x128xi32, #tpu.memory_space<vmem>>, vector<16xi32>,
        tpu.vector_store %arg6[%swap3A_1600, %swap3A_1601], %add3A_1598 {strides = array<i32>} : memref<8x128xi32, #tpu.memory_space<vmem>>, vector<16xi32>,
        %get3A_1603 = arith.constant 112 : index
        %get3A_1604 = tpu.vector_load %arg5[%get3A_1603] {strides = array<i32>} : memref<128xi32, #tpu.memory_space<vmem>>, vector<16xi32>,
        %add3A_1605 = arith.constant 0 : i32
        %add3A_1606 = vector.broadcast %add3A_1605 : i32 to vector<16xi32>
        %add3A_1607 = arith.addi %get3A_1604, %add3A_1606 : vector<16xi32>
        %swap3A_1608 = arith.constant 0 : i32
        %swap3A_1609 = arith.index_cast %swap3A_1608 : i32 to index
        %swap3A_1610 = arith.constant 112 : index
        %swap3A_1611 = tpu.vector_load %arg6[%swap3A_1609, %swap3A_1610] {strides = array<i32>} : memref<8x128xi32, #tpu.memory_space<vmem>>, vector<16xi32>,
        tpu.vector_store %arg6[%swap3A_1609, %swap3A_1610], %add3A_1607 {strides = array<i32>} : memref<8x128xi32, #tpu.memory_space<vmem>>, vector<16xi32>,
        %add3A_1612 = arith.constant 1000 : i32
        %add3A_1613 = vector.broadcast %add3A_1612 : i32 to vector<16xi32>
        %add3A_1614 = arith.addi %get3A_1604, %add3A_1613 : vector<16xi32>
        %swap3A_1615 = arith.constant 1 : i32
        %swap3A_1616 = arith.index_cast %swap3A_1615 : i32 to index
        %swap3A_1617 = arith.constant 112 : index
        %swap3A_1618 = tpu.vector_load %arg6[%swap3A_1616, %swap3A_1617] {strides = array<i32>} : memref<8x128xi32, #tpu.memory_space<vmem>>, vector<16xi32>,
        tpu.vector_store %arg6[%swap3A_1616, %swap3A_1617], %add3A_1614 {strides = array<i32>} : memref<8x128xi32, #tpu.memory_space<vmem>>, vector<16xi32>,
        %add3A_1619 = arith.constant 2000 : i32
        %add3A_1620 = vector.broadcast %add3A_1619 : i32 to vector<16xi32>
        %add3A_1621 = arith.addi %get3A_1604, %add3A_1620 : vector<16xi32>
        %swap3A_1622 = arith.constant 2 : i32
        %swap3A_1623 = arith.index_cast %swap3A_1622 : i32 to index
        %swap3A_1624 = arith.constant 112 : index
        %swap3A_1625 = tpu.vector_load %arg6[%swap3A_1623, %swap3A_1624] {strides = array<i32>} : memref<8x128xi32, #tpu.memory_space<vmem>>, vector<16xi32>,
        tpu.vector_store %arg6[%swap3A_1623, %swap3A_1624], %add3A_1621 {strides = array<i32>} : memref<8x128xi32, #tpu.memory_space<vmem>>, vector<16xi32>,
        %add3A_1626 = arith.constant 3000 : i32
        %add3A_1627 = vector.broadcast %add3A_1626 : i32 to vector<16xi32>
        %add3A_1628 = arith.addi %get3A_1604, %add3A_1627 : vector<16xi32>
        %swap3A_1629 = arith.constant 3 : i32
        %swap3A_1630 = arith.index_cast %swap3A_1629 : i32 to index
        %swap3A_1631 = arith.constant 112 : index
        %swap3A_1632 = tpu.vector_load %arg6[%swap3A_1630, %swap3A_1631] {strides = array<i32>} : memref<8x128xi32, #tpu.memory_space<vmem>>, vector<16xi32>,
        tpu.vector_store %arg6[%swap3A_1630, %swap3A_1631], %add3A_1628 {strides = array<i32>} : memref<8x128xi32, #tpu.memory_space<vmem>>, vector<16xi32>,
        %add3A_1633 = arith.constant 4000 : i32
        %add3A_1634 = vector.broadcast %add3A_1633 : i32 to vector<16xi32>
        %add3A_1635 = arith.addi %get3A_1604, %add3A_1634 : vector<16xi32>
        %swap3A_1636 = arith.constant 4 : i32
        %swap3A_1637 = arith.index_cast %swap3A_1636 : i32 to index
        %swap3A_1638 = arith.constant 112 : index
        %swap3A_1639 = tpu.vector_load %arg6[%swap3A_1637, %swap3A_1638] {strides = array<i32>} : memref<8x128xi32, #tpu.memory_space<vmem>>, vector<16xi32>,
        tpu.vector_store %arg6[%swap3A_1637, %swap3A_1638], %add3A_1635 {strides = array<i32>} : memref<8x128xi32, #tpu.memory_space<vmem>>, vector<16xi32>,
        %add3A_1640 = arith.constant 5000 : i32
        %add3A_1641 = vector.broadcast %add3A_1640 : i32 to vector<16xi32>
        %add3A_1642 = arith.addi %get3A_1604, %add3A_1641 : vector<16xi32>
        %swap3A_1643 = arith.constant 5 : i32
        %swap3A_1644 = arith.index_cast %swap3A_1643 : i32 to index
        %swap3A_1645 = arith.constant 112 : index
        %swap3A_1646 = tpu.vector_load %arg6[%swap3A_1644, %swap3A_1645] {strides = array<i32>} : memref<8x128xi32, #tpu.memory_space<vmem>>, vector<16xi32>,
        tpu.vector_store %arg6[%swap3A_1644, %swap3A_1645], %add3A_1642 {strides = array<i32>} : memref<8x128xi32, #tpu.memory_space<vmem>>, vector<16xi32>,
        %add3A_1647 = arith.constant 6000 : i32
        %add3A_1648 = vector.broadcast %add3A_1647 : i32 to vector<16xi32>
        %add3A_1649 = arith.addi %get3A_1604, %add3A_1648 : vector<16xi32>
        %swap3A_1650 = arith.constant 6 : i32
        %swap3A_1651 = arith.index_cast %swap3A_1650 : i32 to index
        %swap3A_1652 = arith.constant 112 : index
        %swap3A_1653 = tpu.vector_load %arg6[%swap3A_1651, %swap3A_1652] {strides = array<i32>} : memref<8x128xi32, #tpu.memory_space<vmem>>, vector<16xi32>,
        tpu.vector_store %arg6[%swap3A_1651, %swap3A_1652], %add3A_1649 {strides = array<i32>} : memref<8x128xi32, #tpu.memory_space<vmem>>, vector<16xi32>,
        %add3A_1654 = arith.constant 7000 : i32
        %add3A_1655 = vector.broadcast %add3A_1654 : i32 to vector<16xi32>
        %add3A_1656 = arith.addi %get3A_1604, %add3A_1655 : vector<16xi32>
        %swap3A_1657 = arith.constant 7 : i32
        %swap3A_1658 = arith.index_cast %swap3A_1657 : i32 to index
        %swap3A_1659 = arith.constant 112 : index
        %swap3A_1660 = tpu.vector_load %arg6[%swap3A_1658, %swap3A_1659] {strides = array<i32>} : memref<8x128xi32, #tpu.memory_space<vmem>>, vector<16xi32>,
        tpu.vector_store %arg6[%swap3A_1658, %swap3A_1659], %add3A_1656 {strides = array<i32>} : memref<8x128xi32, #tpu.memory_space<vmem>>, vector<16xi32>,
      } else {
      }
      %add3A_1005 = arith.constant 1 : i32
      %add3A_1006 = arith.addi %scan3A_581, %add3A_1005 : i32
      %lt3A_1007 = arith.constant 200 : i32
      %lt3A_1008 = arith.cmpi slt, %add3A_1006, %lt3A_1007 : i32
      %convert_element_type3A_1009 = arith.extui %lt3A_1008 : i1 to i32
      %cond3A_1010 = arith.constant 0 : i32
      %cond3A_1011 = arith.cmpi ne, %convert_element_type3A_1009, %cond3A_1010 : i32
      scf.if %cond3A_1011 {
        %add3A_1107 = arith.constant 2 : i32
        %add3A_1108 = arith.addi %mul3A_583, %add3A_1107 : i32
        %mul3A_1109 = arith.constant 50 : i32
        %mul3A_1110 = arith.muli %add3A, %mul3A_1109 : i32
        %jit3A_1111 = arith.constant 8 : i32
        %div3A_1112 = arith.divsi %add3A_1108, %jit3A_1111 : i32
        %sign3A_1113 = arith.constant 0 : i32
        %sign3A_1114 = arith.cmpi sgt, %add3A_1108, %sign3A_1113 : i32
        %sign3A_1115 = arith.extui %sign3A_1114 : i1 to i32
        %sign3A_1116 = arith.constant 0 : i32
        %sign3A_1117 = arith.cmpi slt, %add3A_1108, %sign3A_1116 : i32
        %sign3A_1118 = arith.extui %sign3A_1117 : i1 to i32
        %sign3A_1119 = arith.subi %sign3A_1115, %sign3A_1118 : i32
        %sign3A_1120 = arith.constant 0 : i32
        %sign3A_1121 = arith.cmpi sgt, %jit3A_1111, %sign3A_1120 : i32
        %sign3A_1122 = arith.extui %sign3A_1121 : i1 to i32
        %sign3A_1123 = arith.constant 0 : i32
        %sign3A_1124 = arith.cmpi slt, %jit3A_1111, %sign3A_1123 : i32
        %sign3A_1125 = arith.extui %sign3A_1124 : i1 to i32
        %sign3A_1126 = arith.subi %sign3A_1122, %sign3A_1125 : i32
        %ne3A_1127 = arith.cmpi ne, %sign3A_1119, %sign3A_1126 : i32
        %rem3A_1128 = arith.remsi %add3A_1108, %jit3A_1111 : i32
        %ne3A_1129 = arith.constant 0 : i32
        %ne3A_1130 = arith.cmpi ne, %rem3A_1128, %ne3A_1129 : i32
        %and3A_1131 = arith.andi %ne3A_1127, %ne3A_1130 : i1
        %sub3A_1132 = arith.constant 1 : i32
        %sub3A_1133 = arith.subi %div3A_1112, %sub3A_1132 : i32
        %select_n3A_1134 = arith.select %and3A_1131, %sub3A_1133, %div3A_1112 : i32
        %add3A_1135 = arith.addi %mul3A_1110, %select_n3A_1134 : i32
        %jit3A_1136 = arith.constant 8 : i32
        %div3A_1137 = arith.divsi %add3A_1135, %jit3A_1136 : i32
        %sign3A_1138 = arith.constant 0 : i32
        %sign3A_1139 = arith.cmpi sgt, %add3A_1135, %sign3A_1138 : i32
        %sign3A_1140 = arith.extui %sign3A_1139 : i1 to i32
        %sign3A_1141 = arith.constant 0 : i32
        %sign3A_1142 = arith.cmpi slt, %add3A_1135, %sign3A_1141 : i32
        %sign3A_1143 = arith.extui %sign3A_1142 : i1 to i32
        %sign3A_1144 = arith.subi %sign3A_1140, %sign3A_1143 : i32
        %sign3A_1145 = arith.constant 0 : i32
        %sign3A_1146 = arith.cmpi sgt, %jit3A_1136, %sign3A_1145 : i32
        %sign3A_1147 = arith.extui %sign3A_1146 : i1 to i32
        %sign3A_1148 = arith.constant 0 : i32
        %sign3A_1149 = arith.cmpi slt, %jit3A_1136, %sign3A_1148 : i32
        %sign3A_1150 = arith.extui %sign3A_1149 : i1 to i32
        %sign3A_1151 = arith.subi %sign3A_1147, %sign3A_1150 : i32
        %ne3A_1152 = arith.cmpi ne, %sign3A_1144, %sign3A_1151 : i32
        %rem3A_1153 = arith.remsi %add3A_1135, %jit3A_1136 : i32
        %ne3A_1154 = arith.constant 0 : i32
        %ne3A_1155 = arith.cmpi ne, %rem3A_1153, %ne3A_1154 : i32
        %and3A_1156 = arith.andi %ne3A_1152, %ne3A_1155 : i1
        %sub3A_1157 = arith.constant 1 : i32
        %sub3A_1158 = arith.subi %div3A_1137, %sub3A_1157 : i32
        %select_n3A_1159 = arith.select %and3A_1156, %sub3A_1158, %div3A_1137 : i32
        %jit3A_1160 = arith.constant 8 : i32
        %eq3A_1161 = arith.constant 0 : i32
        %eq3A_1162 = arith.cmpi eq, %jit3A_1160, %eq3A_1161 : i32
        %jit3A_1163 = arith.constant 1 : i32
        %select_n3A_1164 = arith.select %eq3A_1162, %jit3A_1163, %jit3A_1160 : i32
        %rem3A_1165 = arith.remsi %add3A_1135, %select_n3A_1164 : i32
        %ne3A_1166 = arith.constant 0 : i32
        %ne3A_1167 = arith.cmpi ne, %rem3A_1165, %ne3A_1166 : i32
        %lt3A_1168 = arith.constant 0 : i32
        %lt3A_1169 = arith.cmpi slt, %rem3A_1165, %lt3A_1168 : i32
        %lt3A_1170 = arith.constant 0 : i32
        %lt3A_1171 = arith.cmpi slt, %select_n3A_1164, %lt3A_1170 : i32
        %ne3A_1172 = arith.xori %lt3A_1169, %lt3A_1171 : i1
        %and3A_1173 = arith.andi %ne3A_1172, %ne3A_1167 : i1
        %add3A_1174 = arith.addi %rem3A_1165, %select_n3A_1164 : i32
        %select_n3A_1175 = arith.select %and3A_1173, %add3A_1174, %rem3A_1165 : i32
        %jit3A_1176 = arith.constant 8 : i32
        %eq3A_1177 = arith.constant 0 : i32
        %eq3A_1178 = arith.cmpi eq, %jit3A_1176, %eq3A_1177 : i32
        %jit3A_1179 = arith.constant 1 : i32
        %select_n3A_1180 = arith.select %eq3A_1178, %jit3A_1179, %jit3A_1176 : i32
        %rem3A_1181 = arith.remsi %add3A_1108, %select_n3A_1180 : i32
        %ne3A_1182 = arith.constant 0 : i32
        %ne3A_1183 = arith.cmpi ne, %rem3A_1181, %ne3A_1182 : i32
        %lt3A_1184 = arith.constant 0 : i32
        %lt3A_1185 = arith.cmpi slt, %rem3A_1181, %lt3A_1184 : i32
        %lt3A_1186 = arith.constant 0 : i32
        %lt3A_1187 = arith.cmpi slt, %select_n3A_1180, %lt3A_1186 : i32
        %ne3A_1188 = arith.xori %lt3A_1185, %lt3A_1187 : i1
        %and3A_1189 = arith.andi %ne3A_1188, %ne3A_1183 : i1
        %add3A_1190 = arith.addi %rem3A_1181, %select_n3A_1180 : i32
        %select_n3A_1191 = arith.select %and3A_1189, %add3A_1190, %rem3A_1181 : i32
        %dma_start3A_1192 = arith.constant 0 : i32
        %dma_start3A_1193 = tpu.memref_slice %arg6[%select_n3A_1191, %dma_start3A_1192] : memref<8x128xi32, #tpu.memory_space<vmem>> -> memref<1x128xi32, #tpu.memory_space<vmem>>
        %dma_start3A_1194 = tpu.memref_squeeze %dma_start3A_1193 : memref<1x128xi32, #tpu.memory_space<vmem>> -> memref<128xi32, #tpu.memory_space<vmem>>
        %dma_start3A_1195 = arith.constant 0 : i32
        %dma_start3A_1196 = arith.constant 0 : i32
        %dma_start3A_1197 = tpu.memref_slice %arg3[%dma_start3A_1195, %dma_start3A_1196] : memref<8000x128xf32, #tpu.memory_space<hbm>> -> memref<8000x128xf32, #tpu.memory_space<hbm>>
        tpu.enqueue_indirect_dma source(%dma_start3A_1197 : memref<8000x128xf32, #tpu.memory_space<hbm>>) target(%arg7 : memref<128x128xf32, #tpu.memory_space<vmem>>) offsets(%dma_start3A_1194 : memref<128xi32, #tpu.memory_space<vmem>>) semaphore(%arg12 : memref<!tpu.dma_semaphore, #tpu.memory_space<semaphore_mem>>)
      } else {
      }
      %add3A_1012 = arith.constant 1 : i32
      %add3A_1013 = arith.addi %mul3A_583, %add3A_1012 : i32
      %mul3A_1014 = arith.constant 50 : i32
      %mul3A_1015 = arith.muli %add3A, %mul3A_1014 : i32
      %jit3A_1016 = arith.constant 8 : i32
      %div3A_1017 = arith.divsi %add3A_1013, %jit3A_1016 : i32
      %sign3A_1018 = arith.constant 0 : i32
      %sign3A_1019 = arith.cmpi sgt, %add3A_1013, %sign3A_1018 : i32
      %sign3A_1020 = arith.extui %sign3A_1019 : i1 to i32
      %sign3A_1021 = arith.constant 0 : i32
      %sign3A_1022 = arith.cmpi slt, %add3A_1013, %sign3A_1021 : i32
      %sign3A_1023 = arith.extui %sign3A_1022 : i1 to i32
      %sign3A_1024 = arith.subi %sign3A_1020, %sign3A_1023 : i32
      %sign3A_1025 = arith.constant 0 : i32
      %sign3A_1026 = arith.cmpi sgt, %jit3A_1016, %sign3A_1025 : i32
      %sign3A_1027 = arith.extui %sign3A_1026 : i1 to i32
      %sign3A_1028 = arith.constant 0 : i32
      %sign3A_1029 = arith.cmpi slt, %jit3A_1016, %sign3A_1028 : i32
      %sign3A_1030 = arith.extui %sign3A_1029 : i1 to i32
      %sign3A_1031 = arith.subi %sign3A_1027, %sign3A_1030 : i32
      %ne3A_1032 = arith.cmpi ne, %sign3A_1024, %sign3A_1031 : i32
      %rem3A_1033 = arith.remsi %add3A_1013, %jit3A_1016 : i32
      %ne3A_1034 = arith.constant 0 : i32
      %ne3A_1035 = arith.cmpi ne, %rem3A_1033, %ne3A_1034 : i32
      %and3A_1036 = arith.andi %ne3A_1032, %ne3A_1035 : i1
      %sub3A_1037 = arith.constant 1 : i32
      %sub3A_1038 = arith.subi %div3A_1017, %sub3A_1037 : i32
      %select_n3A_1039 = arith.select %and3A_1036, %sub3A_1038, %div3A_1017 : i32
      %add3A_1040 = arith.addi %mul3A_1015, %select_n3A_1039 : i32
      %jit3A_1041 = arith.constant 8 : i32
      %div3A_1042 = arith.divsi %add3A_1040, %jit3A_1041 : i32
      %sign3A_1043 = arith.constant 0 : i32
      %sign3A_1044 = arith.cmpi sgt, %add3A_1040, %sign3A_1043 : i32
      %sign3A_1045 = arith.extui %sign3A_1044 : i1 to i32
      %sign3A_1046 = arith.constant 0 : i32
      %sign3A_1047 = arith.cmpi slt, %add3A_1040, %sign3A_1046 : i32
      %sign3A_1048 = arith.extui %sign3A_1047 : i1 to i32
      %sign3A_1049 = arith.subi %sign3A_1045, %sign3A_1048 : i32
      %sign3A_1050 = arith.constant 0 : i32
      %sign3A_1051 = arith.cmpi sgt, %jit3A_1041, %sign3A_1050 : i32
      %sign3A_1052 = arith.extui %sign3A_1051 : i1 to i32
      %sign3A_1053 = arith.constant 0 : i32
      %sign3A_1054 = arith.cmpi slt, %jit3A_1041, %sign3A_1053 : i32
      %sign3A_1055 = arith.extui %sign3A_1054 : i1 to i32
      %sign3A_1056 = arith.subi %sign3A_1052, %sign3A_1055 : i32
      %ne3A_1057 = arith.cmpi ne, %sign3A_1049, %sign3A_1056 : i32
      %rem3A_1058 = arith.remsi %add3A_1040, %jit3A_1041 : i32
      %ne3A_1059 = arith.constant 0 : i32
      %ne3A_1060 = arith.cmpi ne, %rem3A_1058, %ne3A_1059 : i32
      %and3A_1061 = arith.andi %ne3A_1057, %ne3A_1060 : i1
      %sub3A_1062 = arith.constant 1 : i32
      %sub3A_1063 = arith.subi %div3A_1042, %sub3A_1062 : i32
      %select_n3A_1064 = arith.select %and3A_1061, %sub3A_1063, %div3A_1042 : i32
      %jit3A_1065 = arith.constant 8 : i32
      %eq3A_1066 = arith.constant 0 : i32
      %eq3A_1067 = arith.cmpi eq, %jit3A_1065, %eq3A_1066 : i32
      %jit3A_1068 = arith.constant 1 : i32
      %select_n3A_1069 = arith.select %eq3A_1067, %jit3A_1068, %jit3A_1065 : i32
      %rem3A_1070 = arith.remsi %add3A_1040, %select_n3A_1069 : i32
      %ne3A_1071 = arith.constant 0 : i32
      %ne3A_1072 = arith.cmpi ne, %rem3A_1070, %ne3A_1071 : i32
      %lt3A_1073 = arith.constant 0 : i32
      %lt3A_1074 = arith.cmpi slt, %rem3A_1070, %lt3A_1073 : i32
      %lt3A_1075 = arith.constant 0 : i32
      %lt3A_1076 = arith.cmpi slt, %select_n3A_1069, %lt3A_1075 : i32
      %ne3A_1077 = arith.xori %lt3A_1074, %lt3A_1076 : i1
      %and3A_1078 = arith.andi %ne3A_1077, %ne3A_1072 : i1
      %add3A_1079 = arith.addi %rem3A_1070, %select_n3A_1069 : i32
      %select_n3A_1080 = arith.select %and3A_1078, %add3A_1079, %rem3A_1070 : i32
      %jit3A_1081 = arith.constant 8 : i32
      %eq3A_1082 = arith.constant 0 : i32
      %eq3A_1083 = arith.cmpi eq, %jit3A_1081, %eq3A_1082 : i32
      %jit3A_1084 = arith.constant 1 : i32
      %select_n3A_1085 = arith.select %eq3A_1083, %jit3A_1084, %jit3A_1081 : i32
      %rem3A_1086 = arith.remsi %add3A_1013, %select_n3A_1085 : i32
      %ne3A_1087 = arith.constant 0 : i32
      %ne3A_1088 = arith.cmpi ne, %rem3A_1086, %ne3A_1087 : i32
      %lt3A_1089 = arith.constant 0 : i32
      %lt3A_1090 = arith.cmpi slt, %rem3A_1086, %lt3A_1089 : i32
      %lt3A_1091 = arith.constant 0 : i32
      %lt3A_1092 = arith.cmpi slt, %select_n3A_1085, %lt3A_1091 : i32
      %ne3A_1093 = arith.xori %lt3A_1090, %lt3A_1092 : i1
      %and3A_1094 = arith.andi %ne3A_1093, %ne3A_1088 : i1
      %add3A_1095 = arith.addi %rem3A_1086, %select_n3A_1085 : i32
      %select_n3A_1096 = arith.select %and3A_1094, %add3A_1095, %rem3A_1086 : i32
      %lt3A_1097 = arith.constant 7 : i32
      %lt3A_1098 = arith.cmpi slt, %select_n3A_1096, %lt3A_1097 : i32
      %convert_element_type3A_1099 = arith.extui %lt3A_1098 : i1 to i32
      %cond3A_1100 = arith.constant 0 : i32
      %cond3A_1101 = arith.cmpi ne, %convert_element_type3A_1099, %cond3A_1100 : i32
      scf.if %cond3A_1101 {
        %dma_wait3A_1107 = arith.constant 0 : i32
        %dma_wait3A_1108 = arith.constant 0 : i32
        %dma_wait3A_1109 = tpu.memref_slice %arg3[%dma_wait3A_1107, %dma_wait3A_1108] : memref<8000x128xf32, #tpu.memory_space<hbm>> -> memref<128x128xf32, #tpu.memory_space<hbm>>
        %dma_wait3A_1110 = arith.constant 0 : i32
        %dma_wait3A_1111 = arith.constant 0 : i32
        %dma_wait3A_1112 = tpu.memref_slice %arg3[%dma_wait3A_1110, %dma_wait3A_1111] : memref<8000x128xf32, #tpu.memory_space<hbm>> -> memref<128x128xf32, #tpu.memory_space<hbm>>
        tpu.wait_dma2 semaphore(%arg13 : memref<!tpu.dma_semaphore, #tpu.memory_space<semaphore_mem>>) src(%dma_wait3A_1112 : memref<128x128xf32, #tpu.memory_space<hbm>>) dst(%arg9 : memref<128x128xf32, #tpu.memory_space<vmem>>)
      } else {
      }
      %eq3A_1102 = arith.constant 7 : i32
      %eq3A_1103 = arith.cmpi eq, %select_n3A_1096, %eq3A_1102 : i32
      %convert_element_type3A_1104 = arith.extui %eq3A_1103 : i1 to i32
      %cond3A_1105 = arith.constant 0 : i32
      %cond3A_1106 = arith.cmpi ne, %convert_element_type3A_1104, %cond3A_1105 : i32
      scf.if %cond3A_1106 {
        %dma_wait3A_1107 = arith.constant 0 : i32
        %dma_wait3A_1108 = arith.constant 0 : i32
        %dma_wait3A_1109 = tpu.memref_slice %arg9[%dma_wait3A_1107, %dma_wait3A_1108] : memref<128x128xf32, #tpu.memory_space<vmem>> -> memref<104x128xf32, #tpu.memory_space<vmem>>
        %dma_wait3A_1110 = arith.constant 0 : i32
        %dma_wait3A_1111 = arith.constant 0 : i32
        %dma_wait3A_1112 = tpu.memref_slice %arg3[%dma_wait3A_1110, %dma_wait3A_1111] : memref<8000x128xf32, #tpu.memory_space<hbm>> -> memref<104x128xf32, #tpu.memory_space<hbm>>
        %dma_wait3A_1113 = arith.constant 0 : i32
        %dma_wait3A_1114 = arith.constant 0 : i32
        %dma_wait3A_1115 = tpu.memref_slice %arg9[%dma_wait3A_1113, %dma_wait3A_1114] : memref<128x128xf32, #tpu.memory_space<vmem>> -> memref<104x128xf32, #tpu.memory_space<vmem>>
        %dma_wait3A_1116 = arith.constant 0 : i32
        %dma_wait3A_1117 = arith.constant 0 : i32
        %dma_wait3A_1118 = tpu.memref_slice %arg3[%dma_wait3A_1116, %dma_wait3A_1117] : memref<8000x128xf32, #tpu.memory_space<hbm>> -> memref<104x128xf32, #tpu.memory_space<hbm>>
        tpu.wait_dma2 semaphore(%arg13 : memref<!tpu.dma_semaphore, #tpu.memory_space<semaphore_mem>>) src(%dma_wait3A_1118 : memref<104x128xf32, #tpu.memory_space<hbm>>) dst(%dma_wait3A_1115 : memref<104x128xf32, #tpu.memory_space<vmem>>)
      } else {
      }
    }
    %scan3A_580 = arith.constant 200 : i32
    return
  }
}

</mosaic_0001>

<sc_bundles>
// kernel: _emb_call.3.cloned.1.call-start
scs
__scs_entry_jumppad:
0x0: {  	(pc) =	sbr.rel $0x88, $3  }
0x1: {  	(tag) =	ssettag $0x0;
	lr =	simm.s32 $0x1  }
0x2: {  	[smem:$0x3F9F] =	sst lr;
	_ =	strace $0xD0000000  }
0x3: {  	_ = 	snop  }
0x4: {  	_ = 	snop  }
0x5: {  	_ = 	snop  }
0x6: {  	_ = 	snop  }
0x7: {  	_ = 	snop  }
__scs_overlays_trampoline_lowered:
0x8: {  	[smem:$0x3FAE] =	sst s0  }
0x9: {  	[smem:$0x3FAF] =	sst s1  }
0xa: {  	[smem:$0x3FB0] =	sst s2  }
0xb: {  	[smem:$0x3FB1] =	sst s3  }
0xc: {  	[smem:$0x3FB2] =	sst s4  }
0xd: {  	[smem:$0x3FB3] =	sst s5  }
0xe: {  	[smem:$0x3FB4] =	sst s6  }
0xf: {  	[smem:$0x3FB5] =	sst s7  }
0x10: {  	[smem:$0x3FB6] =	sst s8  }
0x11: {  	[smem:$0x3FB7] =	sst s9;
	s0 =	simm.s32 @!p0 $0x0  }
0x12: {  	s1 =	sld [smem:$0x3F9D];
	s0 =	simm.s32 @p0 $0x1  }
0x13: {  	[smem:$0x3FB8] =	sst s0;
	s0 =	simm.s32 @!p1 $0x0  }
0x14: {  	s2 =	sld [smem:$0x3F9C];
	s0 =	simm.s32 @p1 $0x1  }
0x15: {  	[smem:$0x3FB9] =	sst s0;
	s0 =	simm.s32 @!p2 $0x0  }
0x16: {  	s3 =	sld [smem:$0x3FDB];
	s0 =	simm.s32 @p2 $0x1  }
0x17: {  	s4 =	simm.s32 $0x1BF5;
	[smem:$0x3FBB] =	sst s0  }
0x18: {  	s0 =	sld [smem:$0x3F9E];
	_ =	swait.ge [sflag:s4], $0x0  }
0x19: {  	s7 =	sld [smem:$0x3F9F]  }
0x1a: {  	s8 =	sadd.s32 $0xFFFFE003, lr  }
0x1b: {  	s9 =	sadd.s32 $0xFFFFFEF7, lr;
	s5 =	simm.s32 $0xFFFFFFFF;
	p2 =	slt.u32 s8, $0xFFFFF086  }
0x1c: {  	p1 =	slt.u32 s9, $0xF7A;
	s5 =	simm.s32 @!p2 $0x0  }
0x1d: {  	s5 =	simm.s32 @p1 $0x1;
	p0 =	seq.s32 s7, s2  }
0x1e: {  	s7 =	smul.u32 @!p0 $0xF7A, s2;
	p2 =	seq.s32 @!p0 s5, $0x0  }
0x1f: {  	s9 =	smul.u32 $0xF7A, s1;
	s8 =	simm.s32 @!p0 $0x1BF5;
	p2 =	por !p2, p0  }
0x20: {  	[sflag:s8] =	ssyncset.s32 @!p0 $0xFFFFF086;
	s6 =	sadd.s32 @!p0 s3, s7;
	s7 =	simm.s32 @!p0 $0x108  }
0x21: {  	s3 =	sadd.s32 s3, s9;
	s6 =	sadd.s32 @!p0 $0x88, s6;
	s7 =	simm.s32 @p2 $0x1082  }
0x22: {  	[simem:s7], [sflag:s8] =	dma.local @!p0 [hbm:s6], $0xF7A  }
0x23: {  	s9 =	sor.u32 $0xD0000000, s2;
	s6 =	simm.s32 $0x108;
	_ =	swait.ge @!p0 [sflag:s8], $0x0  }
0x24: {  	s3 =	sadd.s32 $0x88, s3;
	s6 =	simm.s32 @!p1 $0x1082;
	[sflag:s4] =	ssyncset.s32 $0xFFFFF086  }
0x25: {  	[simem:s6], [sflag:s4] =	dma.local [hbm:s3], $0xF7A  }
0x26: {  	[smem:$0x3F9F] =	sst s1;
	(tag) =	ssettag s2;
	_ =	strace s9  }
0x27: {  	s1 =	sld [smem:$0x3FAF]  }
0x28: {  	s2 =	sld [smem:$0x3FB0]  }
0x29: {  	s4 =	sld [smem:$0x3FB2]  }
0x2a: {  	p0 =	seq.s32 s5, $0x0;
	s5 =	sld [smem:$0x3FB3]  }
0x2b: {  	s6 =	sld [smem:$0x3FB4]  }
0x2c: {  	s7 =	sld [smem:$0x3FB5]  }
0x2d: {  	s3 =	simm.s32 $0x108;
	s8 =	sld [smem:$0x3FB6]  }
0x2e: {  	s3 =	simm.s32 @!p0 $0x1082;
	s9 =	sld [smem:$0x3FB7]  }
0x2f: {  	lr =	sadd.s32 s0, s3;
	s0 =	sld [smem:$0x3FAE]  }
0x30: {  	s3 =	sld [smem:$0x3FB1]  }
0x31: {  	[smem:$0x3FBA] =	sst s10  }
0x32: {  	s10 =	sld [smem:$0x3FB8];
	_ =	sdelay $0x3  }
0x33: {  	p0 =	seq.s32 s10, $0x1;
	s10 =	sld [smem:$0x3FBA];
	_ =	sdelay $0x3  }
0x34: {  	[smem:$0x3FBA] =	sst s10  }
0x35: {  	s10 =	sld [smem:$0x3FB9];
	_ =	sdelay $0x3  }
0x36: {  	p1 =	seq.s32 s10, $0x1;
	s10 =	sld [smem:$0x3FBA];
	_ =	sdelay $0x3  }
0x37: {  	[smem:$0x3FBA] =	sst s10  }
0x38: {  	s10 =	sld [smem:$0x3FBB]  }
0x39: {  	_ = 	snop;
	(pc) =	sbr.ind lr, $3  }
0x3a: {  	_ = 	snop  }
0x3b: {  	_ = 	snop  }
0x3c: {  	p2 =	seq.s32 s10, $0x1;
	s10 =	sld [smem:$0x3FBA]  }
0x3d: {  	_ =	shalt  }
0x3e: {  	_ =	shalt  }
0x3f: {  	_ =	shalt  }
0x40: {  	_ =	shalt  }
0x41: {  	_ =	shalt  }
0x42: {  	_ =	shalt  }
0x43: {  	_ =	shalt  }
0x44: {  	_ =	shalt  }
0x45: {  	_ =	shalt  }
0x46: {  	_ =	shalt  }
0x47: {  	_ =	shalt  }
0x48: {  	_ =	shalt  }
0x49: {  	_ =	shalt  }
0x4a: {  	_ =	shalt  }
0x4b: {  	_ =	shalt  }
0x4c: {  	_ =	shalt  }
0x4d: {  	_ =	shalt  }
0x4e: {  	_ =	shalt  }
0x4f: {  	_ =	shalt  }
0x50: {  	_ =	shalt  }
0x51: {  	_ =	shalt  }
0x52: {  	_ =	shalt  }
0x53: {  	_ =	shalt  }
0x54: {  	_ =	shalt  }
0x55: {  	_ =	shalt  }
0x56: {  	_ =	shalt  }
0x57: {  	_ =	shalt  }
0x58: {  	_ =	shalt  }
0x59: {  	_ =	shalt  }
0x5a: {  	_ =	shalt  }
0x5b: {  	_ =	shalt  }
0x5c: {  	_ =	shalt  }
0x5d: {  	_ =	shalt  }
0x5e: {  	_ =	shalt  }
0x5f: {  	_ =	shalt  }
0x60: {  	_ =	shalt  }
0x61: {  	_ =	shalt  }
0x62: {  	_ =	shalt  }
0x63: {  	_ =	shalt  }
0x64: {  	_ =	shalt  }
0x65: {  	_ =	shalt  }
0x66: {  	_ =	shalt  }
0x67: {  	_ =	shalt  }
0x68: {  	_ =	shalt  }
0x69: {  	_ =	shalt  }
0x6a: {  	_ =	shalt  }
0x6b: {  	_ =	shalt  }
0x6c: {  	_ =	shalt  }
0x6d: {  	_ =	shalt  }
0x6e: {  	_ =	shalt  }
0x6f: {  	_ =	shalt  }
0x70: {  	_ =	shalt  }
0x71: {  	_ =	shalt  }
0x72: {  	_ =	shalt  }
0x73: {  	_ =	shalt  }
0x74: {  	_ =	shalt  }
0x75: {  	_ =	shalt  }
0x76: {  	_ =	shalt  }
0x77: {  	_ =	shalt  }
0x78: {  	_ =	shalt  }
0x79: {  	_ =	shalt  }
0x7a: {  	_ =	shalt  }
0x7b: {  	_ =	shalt  }
0x7c: {  	_ =	shalt  }
0x7d: {  	_ =	shalt  }
0x7e: {  	_ =	shalt  }
0x7f: {  	_ =	shalt  }
0x80: {  	_ =	shalt  }
0x81: {  	_ =	shalt  }
0x82: {  	_ =	shalt  }
0x83: {  	_ =	shalt  }
0x84: {  	_ =	shalt  }
0x85: {  	_ =	shalt  }
0x86: {  	_ =	shalt  }
0x87: {  	_ =	shalt  }
.Lfunc_end0:
.L_simem_size_0:
called_computation_lowered:
.L_overlay_start_0:
0x88: {  	s2 =	sld [smem:$0x3FD9]  }
0x89: {  	s3 =	sld [smem:$0x3FFE];
	_ =	sdelay $0x1  }
0x8a: {  	s1 =	srdreg.scid  }
0x8b: {  	s0 =	sand.u32 $0x1, s1  }
0x8c: {  	s18 =	sshll.u32 s0, $0xA;
	s2 =	sadd.s32 s3, s2  }
0x8d: {  	s2 =	sadd.s32 s2, s18  }
0x8e: {  	[smem:$0x3FC6] =	sst s2  }
0x8f: {  	_ = 	snop  }
0x90: {  	s2 =	sld [smem:$0x3FC9]  }
0x91: {  	s19 =	sld [smem:$0x3FC8]  }
0x92: {  	s4 =	sld [smem:$0x3FD0];
	(tm) =	ssettm $0x1  }
0x93: {  	s5 =	sld [smem:$0x3FFB];
	_ =	sdelay $0x3  }
0x94: {  	_ =	strace s5  }
0x95: {  	s5 =	sld [smem:$0x3FFC];
	_ =	sdelay $0x3  }
0x96: {  	_ =	strace s5  }
0x97: {  	s5 =	sld [smem:$0x3FFD];
	_ =	sdelay $0x3  }
0x98: {  	_ =	strace s5  }
0x99: {  	_ =	strace $0x8FFFFFFF  }
0x9a: {  	s20 =	sld [smem:$0x3FDB];
	_ =	sdelay $0x1  }
0x9b: {  	s6 =	simm.s32 $_scs_section_size  }
0x9c: {  	s7 =	simm.s32 $_size__tile_overlayer_lowered;
	s8 =	simm.s32 $_tile_overlayer_lowered  }
0x9d: {  	s23 =	simm.s32 $0x1BFF;
	s22 =	sshll.u32 s8, $0x1;
	s5 =	sadd.s32 s6, s20  }
0x9e: {  	s9 =	simm.s32 $0x0;
	s21 =	sshll.u32 s7, $0x1;
	s7 =	sadd.s32 s22, s5  }
0x9f: {  	[timem:s9], [sflag:s23] =	dma.local [hbm:s7], s21  }
0xa0: {  	_ =	swait.ge [sflag:s23], s21  }
0xa1: {  	s6 =	ssub.s32 $0x0, s21;
	[sflag:s23] =	ssyncset.done $0x0  }
0xa2: {  	[sflag:s23] =	ssyncadd.s32 s6;
	_ =	sdelay $0x1  }
0xa3: {  	s24 =	simm.s32 $0x1B8B  }
0xa4: {  	_ =	swait.ge [sflag:s24], $0x1  }
0xa5: {  	[sflag:s24] =	ssyncset.done $0x0  }
0xa6: {  	s25 =	simm.s32 $0x1B8E;
	[sflag:s24] =	ssyncadd.s32 $0xFFFFFFFF  }
0xa7: {  	s26 =	simm.s32 $execute0_lowered;
	[smem:$0x3FD2] =	sst s25  }
0xa8: {  	s6 =	sshll.u32 s26, $0x1;
	_ =	strace $0x80000046;
	[dreg:$0x1] =	wrdreg $0xFFFFFFFF  }
0xa9: {  	s28 =	simm.s32 $_size_execute0_lowered;
	s5 =	sadd.s32 s5, s6;
	[dreg:$0x0] =	wrdreg $0x0  }
0xaa: {  	s6 =	sshll.u32 s28, $0x1;
	[dreg:$0x2] =	wrdreg s5  }
0xab: {  	[dreg:$0x3] =	wrdreg s6  }
0xac: {  	[dreg:$0x4] =	wrdreg $0xC0  }
0xad: {  	_ =	task [dreg:s9], $0x5FFFF  }
0xae: {  	[dreg:$0x1] =	wrdreg $0xFFFFFFFF  }
0xaf: {  	[dreg:$0x0] =	wrdreg $0x60  }
0xb0: {  	[dreg:$0x2] =	wrdreg s2  }
0xb1: {  	[dreg:$0x3] =	wrdreg s19  }
0xb2: {  	[dreg:$0x4] =	wrdreg s4  }
0xb3: {  	[dreg:$0x5] =	wrdreg $0x9  }
0xb4: {  	_ =	task.clear_ibuf [dreg:s9], $0x6FFFF;
	_ =	strace $0x90000046  }
0xb5: {  	s29 =	simm.s32 $0x9;
	_ =	strace $0x80000048  }
0xb6: {  	_ =	swait.ge [sflag:s29], $0x1  }
0xb7: {  	[sflag:s29] =	ssyncadd.s32 $0xFFFFFFFF  }
0xb8: {  	_ =	strace $0x90000048  }
0xb9: {  	_ =	sfence  }
0xba: {  	s30 =	sld [smem:$0x0];
	_ =	sdelay $0x2  }
0xbb: {  	s31 =	sshll.u32 s1, $0xD;
	s1 =	sshrl.u32 s1, $0x2  }
0xbc: {  	s3 =	sand.u32 $0x4000, s31;
	s1 =	sadd.s32 s1, s30  }
0xbd: {  	s0 =	sor.u32 s3, s0;
	s1 =	sshll.u32 s1, $0x11  }
0xbe: {  	s0 =	sor.u32 s1, s0  }
0xbf: {  	s0 =	sadd.s32 $0x8F2B, s0  }
0xc0: {  	[sflag:s0] =	ssyncadd.remote.s32 $0x1  }
0xc1: {  	_ =	sfence.sel $0xFFFF  }
0xc2: {  	[dreg:$0x0] =	wrdreg $0xFFFFFFFF;
	(pc) =	sbr.abs _section_cstart, $3  }
0xc3: {  	[dreg:$0x1] =	wrdreg $0xFFFFFFFF  }
0xc4: {  	_ =	task.clear_ibuf [dreg:s9], $0x2FFFF;
	_ =	strace $0x9FFFFFFF  }
0xc5: {  	(tm) =	ssettm $0x7FFFFFFF  }
tec
execute0_lowered:
.L_overlay_start_1:
0x0: {  	(tag) =	ssettag $0x1  }
0x1: {  	s1 =	rddreg [dreg:$0x0]  }
0x2: {  	s2 =	srdreg.scid;
	s3 =	rddreg [dreg:$0x1]  }
0x3: {  	s0 =	stileid.u32;
	s4 =	rddreg [dreg:$0x2]  }
0x4: {  	s5 =	simm.s32 $0x0;
	s11 =	simm.s32 $0x480;
	s12 =	simm.s32 $0x4480  }
0x5: {  	s13 =	simm.s32 $0x1;
	s14 =	simm.s32 $0x400;
	s15 =	simm.s32 $0x2000  }
0x6: {  	s16 =	simm.s32 $0x8480;
	s6 =	sand.u32 $0x1, s2;
	s29 =	sshll.u32 s0, $0x1  }
0x7: {  	s17 =	simm.s32 $0x2;
	s2 =	rddreg [dreg:$0x3];
	s7 =	sor.u32 s6, s29  }
0x8: {  	v0 =	vlaneseq.u32;
	s18 =	simm.s32 $0x0;
	[smem:$0x7FF] =	sst s5;
	s8 =	smul.u32 $0x1900, s7  }
.Ltmp0:
0x9: {  	v0 =	vmul.u32 $0x80, v0;
	s6 =	ssub.s32 $0x2, s6;
	s9 =	sshll.u32 s7, $0x8;
	(pc) =	sbr.rel .LBB2_1-.Ltmp0, $4  }
0xa: {  	s10 =	sshrl.u32 s6, $0x1;
	s9 =	sand.u32 $0x300, s9;
	s8 =	sand.u32 $0x3FC00, s8  }
0xb: {  	_ =	strace $0x80000047;
	v1 =	vor.u32 $0x800, v0;
	s30 =	ssub.s32 s6, s10;
	s8 =	sor.u32 s9, s8  }
0xc: {  	v2 =	vor.u32 $0x1000, v0;
	v3 =	vor.u32 $0x1800, v0;
	v4 =	vor.u32 $0x2000, v0;
	s6 =	smul.u32 $0x32, s7;
	s10 =	simm.s32 $0x80;
	s31 =	sshrl.u32 s8, $0x3  }
0xd: {  	v5 =	vor.u32 $0x2800, v0;
	v6 =	vor.u32 $0x3000, v0;
	v7 =	vor.u32 $0x3800, v0;
	s9 =	simm.s32 $0x3;
	s8 =	smax.u32 s30, $0x1;
	s7 =	sadd.s32 s1, s31  }
.LBB2_11:
0xe: {  	s18 =	sadd.s32 $0x1, s18  }
0xf: {  	p0 =	sne.s32 s18, s8  }
.Ltmp1:
0x10: {  	_ = 	snop;
	(pc) =	sbr.rel @!p0 .LBB2_12-.Ltmp1, $1  }
0x11: {  	_ =	sdelay $0x3  }
.LBB2_1:
0x12: {  	[tilespmem:s5], [sflag:$0x3] =	stream.linear.gather [hbm4b:s7+s5], $0x80, $0x38;
	[tilespmem:$0x10480] =	vst v63  }
0x13: {  	_ =	swait.ge [sflag:s9], $0x80  }
0x14: {  	[sflag:s9] =	ssyncset.done $0x0  }
0x15: {  	[sflag:s9] =	ssyncadd.s32 $0xFFFFFF80  }
0x16: {  	v8 =	vld [tilespmem:$0x0]  }
0x17: {  	v10 =	vld [tilespmem:$0x10]  }
0x18: {  	v58 =	vld [tilespmem:$0x20]  }
0x19: {  	v59 =	vld [tilespmem:$0x30]  }
0x1a: {  	v60 =	vld [tilespmem:$0x40]  }
0x1b: {  	v61 =	vld [tilespmem:$0x50];
	[tilespmem:$0x80] =	vst v8  }
0x1c: {  	v62 =	vld [tilespmem:$0x60];
	[tilespmem:$0x90] =	vst v10  }
0x1d: {  	v63 =	vld [tilespmem:$0x70];
	[tilespmem:$0xA0] =	vst v58  }
0x1e: {  	[tilespmem:$0xB0] =	vst v59  }
0x1f: {  	[tilespmem:$0xC0] =	vst v60  }
0x20: {  	[tilespmem:$0xD0] =	vst v61  }
0x21: {  	[tilespmem:$0xE0] =	vst v62  }
0x22: {  	v9 =	vadd.s32 $0x3E8, v8;
	[tilespmem:$0xF0] =	vst v63  }
0x23: {  	v53 =	vadd.s32 $0x7D0, v8;
	[tilespmem:$0x100] =	vst v9  }
0x24: {  	v54 =	vadd.s32 $0xBB8, v8;
	[tilespmem:$0x180] =	vst v53  }
0x25: {  	v55 =	vadd.s32 $0xFA0, v8;
	[tilespmem:$0x200] =	vst v54  }
0x26: {  	v56 =	vadd.s32 $0x1388, v8;
	[tilespmem:$0x280] =	vst v55  }
0x27: {  	v57 =	vadd.s32 $0x1770, v8;
	[tilespmem:$0x300] =	vst v56  }
0x28: {  	v8 =	vadd.s32 $0x1B58, v8;
	[tilespmem:$0x380] =	vst v57  }
0x29: {  	[tilespmem:$0x400] =	vst v8;
	v8 =	vadd.s32 $0x3E8, v10  }
0x2a: {  	[tilespmem:$0x110] =	vst v8;
	v8 =	vadd.s32 $0x7D0, v10  }
0x2b: {  	[tilespmem:$0x190] =	vst v8;
	v8 =	vadd.s32 $0xBB8, v10  }
0x2c: {  	[tilespmem:$0x210] =	vst v8;
	v8 =	vadd.s32 $0xFA0, v10  }
0x2d: {  	[tilespmem:$0x290] =	vst v8;
	v8 =	vadd.s32 $0x1388, v10  }
0x2e: {  	[tilespmem:$0x310] =	vst v8;
	v8 =	vadd.s32 $0x1770, v10  }
0x2f: {  	[tilespmem:$0x390] =	vst v8;
	v8 =	vadd.s32 $0x1B58, v10  }
0x30: {  	[tilespmem:$0x410] =	vst v8;
	v8 =	vadd.s32 $0x3E8, v58  }
0x31: {  	[tilespmem:$0x120] =	vst v8;
	v8 =	vadd.s32 $0x7D0, v58  }
0x32: {  	[tilespmem:$0x1A0] =	vst v8;
	v8 =	vadd.s32 $0xBB8, v58  }
0x33: {  	[tilespmem:$0x220] =	vst v8;
	v8 =	vadd.s32 $0xFA0, v58  }
0x34: {  	[tilespmem:$0x2A0] =	vst v8;
	v8 =	vadd.s32 $0x1388, v58  }
0x35: {  	[tilespmem:$0x320] =	vst v8;
	v8 =	vadd.s32 $0x1770, v58  }
0x36: {  	[tilespmem:$0x3A0] =	vst v8;
	v8 =	vadd.s32 $0x1B58, v58  }
0x37: {  	[tilespmem:$0x420] =	vst v8;
	v8 =	vadd.s32 $0x3E8, v59  }
0x38: {  	[tilespmem:$0x130] =	vst v8;
	v8 =	vadd.s32 $0x7D0, v59  }
0x39: {  	[tilespmem:$0x1B0] =	vst v8;
	v8 =	vadd.s32 $0xBB8, v59  }
0x3a: {  	[tilespmem:$0x230] =	vst v8;
	v8 =	vadd.s32 $0xFA0, v59  }
0x3b: {  	[tilespmem:$0x2B0] =	vst v8;
	v8 =	vadd.s32 $0x1388, v59  }
0x3c: {  	[tilespmem:$0x330] =	vst v8;
	v8 =	vadd.s32 $0x1770, v59  }
0x3d: {  	[tilespmem:$0x3B0] =	vst v8;
	v8 =	vadd.s32 $0x1B58, v59  }
0x3e: {  	[tilespmem:$0x430] =	vst v8;
	v8 =	vadd.s32 $0x3E8, v60  }
0x3f: {  	[tilespmem:$0x140] =	vst v8;
	v8 =	vadd.s32 $0x7D0, v60  }
0x40: {  	[tilespmem:$0x1C0] =	vst v8;
	v8 =	vadd.s32 $0xBB8, v60  }
0x41: {  	[tilespmem:$0x240] =	vst v8;
	v8 =	vadd.s32 $0xFA0, v60  }
0x42: {  	[tilespmem:$0x2C0] =	vst v8;
	v8 =	vadd.s32 $0x1388, v60  }
0x43: {  	[tilespmem:$0x340] =	vst v8;
	v8 =	vadd.s32 $0x1770, v60  }
0x44: {  	[tilespmem:$0x3C0] =	vst v8;
	v8 =	vadd.s32 $0x1B58, v60  }
0x45: {  	[tilespmem:$0x440] =	vst v8;
	v8 =	vadd.s32 $0x3E8, v61  }
0x46: {  	[tilespmem:$0x150] =	vst v8;
	v8 =	vadd.s32 $0x7D0, v61  }
0x47: {  	[tilespmem:$0x1D0] =	vst v8;
	v8 =	vadd.s32 $0xBB8, v61  }
0x48: {  	[tilespmem:$0x250] =	vst v8;
	v8 =	vadd.s32 $0xFA0, v61  }
0x49: {  	[tilespmem:$0x2D0] =	vst v8;
	v8 =	vadd.s32 $0x1388, v61  }
0x4a: {  	[tilespmem:$0x350] =	vst v8;
	v8 =	vadd.s32 $0x1770, v61  }
0x4b: {  	[tilespmem:$0x3D0] =	vst v8;
	v8 =	vadd.s32 $0x1B58, v61  }
0x4c: {  	[tilespmem:$0x450] =	vst v8;
	v8 =	vadd.s32 $0x3E8, v62  }
0x4d: {  	[tilespmem:$0x160] =	vst v8;
	v8 =	vadd.s32 $0x7D0, v62  }
0x4e: {  	[tilespmem:$0x1E0] =	vst v8;
	v8 =	vadd.s32 $0xBB8, v62  }
0x4f: {  	[tilespmem:$0x260] =	vst v8;
	v8 =	vadd.s32 $0xFA0, v62  }
0x50: {  	[tilespmem:$0x2E0] =	vst v8;
	v8 =	vadd.s32 $0x1388, v62  }
0x51: {  	[tilespmem:$0x360] =	vst v8;
	v8 =	vadd.s32 $0x1770, v62  }
0x52: {  	[tilespmem:$0x3E0] =	vst v8;
	v8 =	vadd.s32 $0x1B58, v62  }
0x53: {  	[tilespmem:$0x460] =	vst v8;
	v8 =	vadd.s32 $0x3E8, v63  }
0x54: {  	[tilespmem:$0x170] =	vst v8;
	v8 =	vadd.s32 $0x7D0, v63  }
0x55: {  	[tilespmem:$0x1F0] =	vst v8;
	v8 =	vadd.s32 $0xBB8, v63  }
0x56: {  	[tilespmem:$0x270] =	vst v8;
	v8 =	vadd.s32 $0xFA0, v63  }
.Ltmp2:
0x57: {  	[tilespmem:$0x2F0] =	vst v8;
	v8 =	vadd.s32 $0x1388, v63;
	(pc) =	sbr.rel .LBB2_2-.Ltmp2, $4  }
0x58: {  	[tilespmem:$0x370] =	vst v8;
	v8 =	vadd.s32 $0x1770, v63  }
0x59: {  	[tilespmem:$0x3F0] =	vst v8;
	v8 =	vadd.s32 $0x1B58, v63  }
0x5a: {  	s19 =	simm.s32 $0x0;
	[tilespmem:$0x470] =	vst v8  }
0x5b: {  	[tilespmem:s11], [sflag:$0x1] =	stream.indirect.gather [hbm4b:s3+s10], $0x80, s10, s10, $0xb8;
	[tilespmem:$0x10480] =	vst v63  }
.LBB2_7:
0x5c: {  	s21 =	sshrl.u32 s21, $0x3  }
0x5d: {  	s21 =	sadd.s32 s6, s21  }
0x5e: {  	s21 =	sshll.u32 s21, $0x4  }
0x5f: {  	s21 =	sand.u32 $0xFFFFFF0, s21  }
0x60: {  	s21 =	sadd.s32 s1, s21  }
0x61: {  	[tilespmem:s5], [sflag:$0x3] =	stream.linear.gather [hbm4b:s21+s5], $0x80, $0x38;
	[tilespmem:$0x10480] =	vst v63  }
0x62: {  	_ =	swait.ge [sflag:s9], $0x80  }
0x63: {  	[sflag:s9] =	ssyncset.done $0x0  }
0x64: {  	[sflag:s9] =	ssyncadd.s32 $0xFFFFFF80  }
0x65: {  	v8 =	vld [tilespmem:$0x0]  }
0x66: {  	v10 =	vld [tilespmem:$0x10]  }
0x67: {  	v58 =	vld [tilespmem:$0x20]  }
0x68: {  	v59 =	vld [tilespmem:$0x30]  }
0x69: {  	v60 =	vld [tilespmem:$0x40]  }
0x6a: {  	v61 =	vld [tilespmem:$0x50];
	[tilespmem:$0x80] =	vst v8  }
0x6b: {  	v62 =	vld [tilespmem:$0x60];
	[tilespmem:$0x90] =	vst v10  }
0x6c: {  	v63 =	vld [tilespmem:$0x70];
	[tilespmem:$0xA0] =	vst v58  }
0x6d: {  	[tilespmem:$0xB0] =	vst v59  }
0x6e: {  	[tilespmem:$0xC0] =	vst v60  }
0x6f: {  	[tilespmem:$0xD0] =	vst v61  }
0x70: {  	[tilespmem:$0xE0] =	vst v62  }
0x71: {  	v9 =	vadd.s32 $0x3E8, v8;
	[tilespmem:$0xF0] =	vst v63  }
0x72: {  	v53 =	vadd.s32 $0x7D0, v8;
	[tilespmem:$0x100] =	vst v9  }
0x73: {  	v54 =	vadd.s32 $0xBB8, v8;
	[tilespmem:$0x180] =	vst v53  }
0x74: {  	v55 =	vadd.s32 $0xFA0, v8;
	[tilespmem:$0x200] =	vst v54  }
0x75: {  	v56 =	vadd.s32 $0x1388, v8;
	[tilespmem:$0x280] =	vst v55  }
0x76: {  	v57 =	vadd.s32 $0x1770, v8;
	[tilespmem:$0x300] =	vst v56  }
0x77: {  	v8 =	vadd.s32 $0x1B58, v8;
	[tilespmem:$0x380] =	vst v57  }
0x78: {  	[tilespmem:$0x400] =	vst v8;
	v8 =	vadd.s32 $0x3E8, v10  }
0x79: {  	[tilespmem:$0x110] =	vst v8;
	v8 =	vadd.s32 $0x7D0, v10  }
0x7a: {  	[tilespmem:$0x190] =	vst v8;
	v8 =	vadd.s32 $0xBB8, v10  }
0x7b: {  	[tilespmem:$0x210] =	vst v8;
	v8 =	vadd.s32 $0xFA0, v10  }
0x7c: {  	[tilespmem:$0x290] =	vst v8;
	v8 =	vadd.s32 $0x1388, v10  }
0x7d: {  	[tilespmem:$0x310] =	vst v8;
	v8 =	vadd.s32 $0x1770, v10  }
0x7e: {  	[tilespmem:$0x390] =	vst v8;
	v8 =	vadd.s32 $0x1B58, v10  }
0x7f: {  	[tilespmem:$0x410] =	vst v8;
	v8 =	vadd.s32 $0x3E8, v58  }
0x80: {  	[tilespmem:$0x120] =	vst v8;
	v8 =	vadd.s32 $0x7D0, v58  }
0x81: {  	[tilespmem:$0x1A0] =	vst v8;
	v8 =	vadd.s32 $0xBB8, v58  }
0x82: {  	[tilespmem:$0x220] =	vst v8;
	v8 =	vadd.s32 $0xFA0, v58  }
0x83: {  	[tilespmem:$0x2A0] =	vst v8;
	v8 =	vadd.s32 $0x1388, v58  }
0x84: {  	[tilespmem:$0x320] =	vst v8;
	v8 =	vadd.s32 $0x1770, v58  }
0x85: {  	[tilespmem:$0x3A0] =	vst v8;
	v8 =	vadd.s32 $0x1B58, v58  }
0x86: {  	[tilespmem:$0x420] =	vst v8;
	v8 =	vadd.s32 $0x3E8, v59  }
0x87: {  	[tilespmem:$0x130] =	vst v8;
	v8 =	vadd.s32 $0x7D0, v59  }
0x88: {  	[tilespmem:$0x1B0] =	vst v8;
	v8 =	vadd.s32 $0xBB8, v59  }
0x89: {  	[tilespmem:$0x230] =	vst v8;
	v8 =	vadd.s32 $0xFA0, v59  }
0x8a: {  	[tilespmem:$0x2B0] =	vst v8;
	v8 =	vadd.s32 $0x1388, v59  }
0x8b: {  	[tilespmem:$0x330] =	vst v8;
	v8 =	vadd.s32 $0x1770, v59  }
0x8c: {  	[tilespmem:$0x3B0] =	vst v8;
	v8 =	vadd.s32 $0x1B58, v59  }
0x8d: {  	[tilespmem:$0x430] =	vst v8;
	v8 =	vadd.s32 $0x3E8, v60  }
0x8e: {  	[tilespmem:$0x140] =	vst v8;
	v8 =	vadd.s32 $0x7D0, v60  }
0x8f: {  	[tilespmem:$0x1C0] =	vst v8;
	v8 =	vadd.s32 $0xBB8, v60  }
0x90: {  	[tilespmem:$0x240] =	vst v8;
	v8 =	vadd.s32 $0xFA0, v60  }
0x91: {  	[tilespmem:$0x2C0] =	vst v8;
	v8 =	vadd.s32 $0x1388, v60  }
0x92: {  	[tilespmem:$0x340] =	vst v8;
	v8 =	vadd.s32 $0x1770, v60  }
0x93: {  	[tilespmem:$0x3C0] =	vst v8;
	v8 =	vadd.s32 $0x1B58, v60  }
0x94: {  	[tilespmem:$0x440] =	vst v8;
	v8 =	vadd.s32 $0x3E8, v61  }
0x95: {  	[tilespmem:$0x150] =	vst v8;
	v8 =	vadd.s32 $0x7D0, v61  }
0x96: {  	[tilespmem:$0x1D0] =	vst v8;
	v8 =	vadd.s32 $0xBB8, v61  }
0x97: {  	[tilespmem:$0x250] =	vst v8;
	v8 =	vadd.s32 $0xFA0, v61  }
0x98: {  	[tilespmem:$0x2D0] =	vst v8;
	v8 =	vadd.s32 $0x1388, v61  }
0x99: {  	[tilespmem:$0x350] =	vst v8;
	v8 =	vadd.s32 $0x1770, v61  }
0x9a: {  	[tilespmem:$0x3D0] =	vst v8;
	v8 =	vadd.s32 $0x1B58, v61  }
0x9b: {  	[tilespmem:$0x450] =	vst v8;
	v8 =	vadd.s32 $0x3E8, v62  }
0x9c: {  	[tilespmem:$0x160] =	vst v8;
	v8 =	vadd.s32 $0x7D0, v62  }
0x9d: {  	[tilespmem:$0x1E0] =	vst v8;
	v8 =	vadd.s32 $0xBB8, v62  }
0x9e: {  	[tilespmem:$0x260] =	vst v8;
	v8 =	vadd.s32 $0xFA0, v62  }
0x9f: {  	[tilespmem:$0x2E0] =	vst v8;
	v8 =	vadd.s32 $0x1388, v62  }
0xa0: {  	[tilespmem:$0x360] =	vst v8;
	v8 =	vadd.s32 $0x1770, v62  }
0xa1: {  	[tilespmem:$0x3E0] =	vst v8;
	v8 =	vadd.s32 $0x1B58, v62  }
0xa2: {  	[tilespmem:$0x460] =	vst v8;
	v8 =	vadd.s32 $0x3E8, v63  }
0xa3: {  	[tilespmem:$0x170] =	vst v8;
	v8 =	vadd.s32 $0x7D0, v63  }
0xa4: {  	[tilespmem:$0x1F0] =	vst v8;
	v8 =	vadd.s32 $0xBB8, v63  }
0xa5: {  	[tilespmem:$0x270] =	vst v8;
	v8 =	vadd.s32 $0xFA0, v63  }
0xa6: {  	[tilespmem:$0x2F0] =	vst v8;
	v8 =	vadd.s32 $0x1388, v63  }
0xa7: {  	[tilespmem:$0x370] =	vst v8;
	v8 =	vadd.s32 $0x1770, v63  }
0xa8: {  	[tilespmem:$0x3F0] =	vst v8;
	v8 =	vadd.s32 $0x1B58, v63  }
0xa9: {  	[tilespmem:$0x470] =	vst v8  }
.LBB2_9:
0xaa: {  	s20 =	sshll.u32 s20, $0x7  }
0xab: {  	s20 =	sadd.s32 $0x80, s20  }
0xac: {  	[tilespmem:s11], [sflag:$0x1] =	stream.indirect.gather [hbm4b:s3+s10], $0x80, s20, s10, $0xb8;
	[tilespmem:$0x10480] =	vst v63  }
.LBB2_10:
0xad: {  	s20 =	simm.s32 @p0 $0x2;
	s19 =	sadd.s32 $0x1, s19  }
0xae: {  	_ =	swait.ge @p0 [sflag:s20], $0x3400;
	p1 =	sne.s32 s19, $0xC8  }
.Ltmp3:
0xaf: {  	[sflag:s20] =	ssyncset.done @p0 $0x0;
	(pc) =	sbr.rel @!p1 .LBB2_11-.Ltmp3, $4  }
0xb0: {  	[sflag:s20] =	ssyncadd.s32 @p0 $0xFFFFCC00;
	s20 =	simm.s32 @!p0 $0x2  }
0xb1: {  	_ =	swait.ge @!p0 [sflag:s20], $0x4000  }
0xb2: {  	[sflag:s20] =	ssyncset.done @!p0 $0x0  }
0xb3: {  	[sflag:s20] =	ssyncadd.s32 @!p0 $0xFFFFC000  }
.LBB2_2:
0xb4: {  	s21 =	simm.s32 $0x0  }
0xb5: {  	s20 =	sshll.u32 s19, $0x1;
	v8 =	vmov s21  }
0xb6: {  	s22 =	sand.u32 $0x6, s20;
	v8 =	vand.u32 $0x7F, v8  }
0xb7: {  	s21 =	sor.u32 $0x1, s22;
	v8 =	vbroadcast v8, $0x0  }
0xb8: {  	s23 =	sshll.u32 s21, $0x7  }
0xb9: {  	s23 =	sadd.s32 $0x80, s23;
	v9 =	vor.u32 v0, v8  }
0xba: {  	[tilespmem:s12], [sflag:$0x1] =	stream.indirect.gather [hbm4b:s3+s10], $0x80, s23, s10, $0xb8;
	[tilespmem:$0x10480] =	vst v63  }
0xbb: {  	_ =	swait.ge [sflag:s13], $0x4000  }
0xbc: {  	[sflag:s13] =	ssyncset.done $0x0  }
0xbd: {  	[sflag:s13] =	ssyncadd.s32 $0xFFFFC000  }
0xbe: {  	v9 =	vld.idx.msk [tilespmem:v9+s11+$0x0], $0xffff  }
0xbf: {  	v10 =	vor.u32 v1, v8;
	_ =	sdelay $0x2  }
0xc0: {  	s23 =	simm.s32 $0x84C0  }
0xc1: {  	[tilespmem:s23+$0xFFFFFFC0] =	vst v9  }
0xc2: {  	v9 =	vld.idx.msk [tilespmem:v10+s11+$0x0], $0xffff  }
0xc3: {  	v10 =	vor.u32 v2, v8;
	_ =	sdelay $0x3  }
0xc4: {  	[tilespmem:s23+$0xFFFFFFD0] =	vst v9  }
0xc5: {  	v9 =	vld.idx.msk [tilespmem:v10+s11+$0x0], $0xffff  }
0xc6: {  	v10 =	vor.u32 v3, v8;
	_ =	sdelay $0x3  }
0xc7: {  	[tilespmem:s23+$0xFFFFFFE0] =	vst v9  }
0xc8: {  	v9 =	vld.idx.msk [tilespmem:v10+s11+$0x0], $0xffff  }
0xc9: {  	v10 =	vor.u32 v4, v8;
	_ =	sdelay $0x3  }
0xca: {  	[tilespmem:s23+$0xFFFFFFF0] =	vst v9  }
0xcb: {  	v9 =	vld.idx.msk [tilespmem:v10+s11+$0x0], $0xffff  }
0xcc: {  	v10 =	vor.u32 v5, v8;
	_ =	sdelay $0x3  }
0xcd: {  	[tilespmem:s23+$0x0] =	vst v9  }
0xce: {  	v9 =	vld.idx.msk [tilespmem:v10+s11+$0x0], $0xffff  }
0xcf: {  	v10 =	vor.u32 v6, v8;
	_ =	sdelay $0x3  }
0xd0: {  	[tilespmem:s23+$0x10] =	vst v9  }
0xd1: {  	v9 =	vld.idx.msk [tilespmem:v10+s11+$0x0], $0xffff  }
0xd2: {  	v8 =	vor.u32 v7, v8;
	_ =	sdelay $0x1  }
0xd3: {  	s24 =	simm.s32 $0x1  }
0xd4: {  	v10 =	vmov s24;
	s24 =	simm.s32 $0x2  }
.LBB2_3:
0xd5: {  	p0 =	sne.s32 s24, $0x7F;
	v10 =	vand.u32 $0x7F, v10;
	[tilespmem:s23+$0x20] =	vst v9  }
0xd6: {  	v10 =	vbroadcast v10, $0x0;
	v8 =	vld.idx.msk [tilespmem:v8+s11+$0x0], $0xffff;
	_ =	sdelay $0x1  }
0xd7: {  	v9 =	vor.u32 v0, v10;
	_ =	sdelay $0x3  }
0xd8: {  	[tilespmem:s23+$0x30] =	vst v8  }
0xd9: {  	v8 =	vld.idx.msk [tilespmem:v9+s11+$0x0], $0xffff;
	_ =	sdelay $0x1  }
0xda: {  	v9 =	vor.u32 v1, v10;
	_ =	sdelay $0x2  }
0xdb: {  	s23 =	sadd.s32 $0x80, s23  }
0xdc: {  	[tilespmem:s23+$0xFFFFFFC0] =	vst v8  }
0xdd: {  	v8 =	vld.idx.msk [tilespmem:v9+s11+$0x0], $0xffff;
	_ =	sdelay $0x1  }
0xde: {  	v9 =	vor.u32 v2, v10;
	_ =	sdelay $0x3  }
0xdf: {  	[tilespmem:s23+$0xFFFFFFD0] =	vst v8  }
0xe0: {  	v8 =	vld.idx.msk [tilespmem:v9+s11+$0x0], $0xffff;
	_ =	sdelay $0x1  }
0xe1: {  	v9 =	vor.u32 v3, v10;
	_ =	sdelay $0x3  }
0xe2: {  	[tilespmem:s23+$0xFFFFFFE0] =	vst v8  }
0xe3: {  	v8 =	vld.idx.msk [tilespmem:v9+s11+$0x0], $0xffff;
	_ =	sdelay $0x1  }
0xe4: {  	v9 =	vor.u32 v4, v10;
	_ =	sdelay $0x3  }
0xe5: {  	[tilespmem:s23+$0xFFFFFFF0] =	vst v8  }
0xe6: {  	v8 =	vld.idx.msk [tilespmem:v9+s11+$0x0], $0xffff;
	_ =	sdelay $0x1  }
0xe7: {  	v9 =	vor.u32 v5, v10;
	_ =	sdelay $0x3  }
0xe8: {  	[tilespmem:s23+$0x0] =	vst v8  }
0xe9: {  	v8 =	vld.idx.msk [tilespmem:v9+s11+$0x0], $0xffff;
	_ =	sdelay $0x1  }
0xea: {  	v9 =	vor.u32 v6, v10;
	_ =	sdelay $0x3  }
0xeb: {  	[tilespmem:s23+$0x10] =	vst v8  }
0xec: {  	v9 =	vld.idx.msk [tilespmem:v9+s11+$0x0], $0xffff  }
.Ltmp4:
0xed: {  	(pc) =	sbr.rel @p0 .LBB2_3-.Ltmp4, $2  }
0xee: {  	v8 =	vor.u32 v7, v10;
	_ =	sdelay $0x2  }
0xef: {  	v10 =	vmov s24;
	s24 =	sadd.s32 $0x1, s24  }
0xf0: {  	_ =	sdelay $0x1  }
0xf1: {  	v10 =	vand.u32 $0x7F, v10  }
0xf2: {  	[tilespmem:s23+$0x20] =	vst v9;
	v9 =	vbroadcast v10, $0x0  }
0xf3: {  	v8 =	vld.idx.msk [tilespmem:v8+s11+$0x0], $0xffff  }
0xf4: {  	v10 =	vor.u32 v0, v9;
	_ =	sdelay $0x3  }
0xf5: {  	[tilespmem:s23+$0x30] =	vst v8  }
0xf6: {  	v8 =	vld.idx.msk [tilespmem:v10+s11+$0x0], $0xffff  }
0xf7: {  	v10 =	vor.u32 v1, v9;
	_ =	sdelay $0x2  }
0xf8: {  	s25 =	sadd.s32 $0x80, s23  }
0xf9: {  	[tilespmem:s25+$0xFFFFFFC0] =	vst v8  }
0xfa: {  	v8 =	vld.idx.msk [tilespmem:v10+s11+$0x0], $0xffff  }
0xfb: {  	v10 =	vor.u32 v2, v9;
	_ =	sdelay $0x3  }
0xfc: {  	[tilespmem:s25+$0xFFFFFFD0] =	vst v8  }
0xfd: {  	v8 =	vld.idx.msk [tilespmem:v10+s11+$0x0], $0xffff  }
0xfe: {  	v10 =	vor.u32 v3, v9;
	_ =	sdelay $0x3  }
0xff: {  	[tilespmem:s25+$0xFFFFFFE0] =	vst v8  }
0x100: {  	v8 =	vld.idx.msk [tilespmem:v10+s11+$0x0], $0xffff  }
0x101: {  	v10 =	vor.u32 v4, v9;
	_ =	sdelay $0x3  }
0x102: {  	[tilespmem:s25+$0xFFFFFFF0] =	vst v8  }
0x103: {  	v8 =	vld.idx.msk [tilespmem:v10+s11+$0x0], $0xffff  }
0x104: {  	v10 =	vor.u32 v5, v9;
	_ =	sdelay $0x3  }
0x105: {  	[tilespmem:s25+$0x0] =	vst v8  }
0x106: {  	v8 =	vld.idx.msk [tilespmem:v10+s11+$0x0], $0xffff  }
0x107: {  	v10 =	vor.u32 v6, v9;
	_ =	sdelay $0x3  }
0x108: {  	[tilespmem:s25+$0x10] =	vst v8  }
0x109: {  	v8 =	vld.idx.msk [tilespmem:v10+s11+$0x0], $0xffff  }
0x10a: {  	v9 =	vor.u32 v7, v9;
	_ =	sdelay $0x1  }
0x10b: {  	s28 =	sshrl.u32 s19, $0x2  }
0x10c: {  	s24 =	sadd.s32 s6, s28  }
0x10d: {  	s23 =	sshrl.u32 s24, $0x3;
	[tilespmem:s25+$0x20] =	vst v8  }
0x10e: {  	s26 =	sshll.u32 s19, $0x12;
	s28 =	simm.s32 $0x0;
	s23 =	smul.u32 $0xFA000, s23;
	v8 =	vld.idx.msk [tilespmem:v9+s11+$0x0], $0xffff  }
0x10f: {  	s26 =	sand.u32 $0xC0000, s26;
	s29 =	sshll.u32 s24, $0xA;
	v9 =	vmov s28  }
0x110: {  	s26 =	sadd.s32 s26, s23;
	s28 =	sand.u32 $0x1C00, s29;
	v9 =	vand.u32 $0x7F, v9  }
0x111: {  	s26 =	sor.u32 s28, s26;
	v10 =	vbroadcast v9, $0x0  }
0x112: {  	s26 =	sshrl.u32 s26, $0x3  }
0x113: {  	s30 =	sadd.s32 s4, s26;
	[tilespmem:s25+$0x30] =	vst v8;
	v8 =	vor.u32 v0, v10  }
0x114: {  	[hbm4b:s30+s14] =	stream.strided.scatter [tilespmem:s16], [sflag:$0x2], $0x4000, s15, s14, $0x38;
	[tilespmem:$0x10480] =	vst v63  }
0x115: {  	_ =	swait.ge [sflag:s13], $0x4000  }
0x116: {  	[sflag:s13] =	ssyncset.done $0x0  }
0x117: {  	[sflag:s13] =	ssyncadd.s32 $0xFFFFC000  }
0x118: {  	v8 =	vld.idx.msk [tilespmem:v8+s12+$0x0], $0xffff  }
0x119: {  	v9 =	vor.u32 v1, v10;
	_ =	sdelay $0x2  }
0x11a: {  	s25 =	simm.s32 $0xC4C0  }
0x11b: {  	[tilespmem:s25+$0xFFFFFFC0] =	vst v8  }
0x11c: {  	v8 =	vld.idx.msk [tilespmem:v9+s12+$0x0], $0xffff  }
0x11d: {  	v9 =	vor.u32 v2, v10;
	_ =	sdelay $0x3  }
0x11e: {  	[tilespmem:s25+$0xFFFFFFD0] =	vst v8  }
0x11f: {  	v8 =	vld.idx.msk [tilespmem:v9+s12+$0x0], $0xffff  }
0x120: {  	v9 =	vor.u32 v3, v10;
	_ =	sdelay $0x3  }
0x121: {  	[tilespmem:s25+$0xFFFFFFE0] =	vst v8  }
0x122: {  	v8 =	vld.idx.msk [tilespmem:v9+s12+$0x0], $0xffff  }
0x123: {  	v9 =	vor.u32 v4, v10;
	_ =	sdelay $0x3  }
0x124: {  	[tilespmem:s25+$0xFFFFFFF0] =	vst v8  }
0x125: {  	v8 =	vld.idx.msk [tilespmem:v9+s12+$0x0], $0xffff  }
0x126: {  	v9 =	vor.u32 v5, v10;
	_ =	sdelay $0x3  }
0x127: {  	[tilespmem:s25+$0x0] =	vst v8  }
0x128: {  	v8 =	vld.idx.msk [tilespmem:v9+s12+$0x0], $0xffff  }
0x129: {  	v9 =	vor.u32 v6, v10;
	_ =	sdelay $0x3  }
0x12a: {  	[tilespmem:s25+$0x10] =	vst v8  }
0x12b: {  	v9 =	vld.idx.msk [tilespmem:v9+s12+$0x0], $0xffff  }
0x12c: {  	v8 =	vor.u32 v7, v10;
	_ =	sdelay $0x1  }
0x12d: {  	s31 =	simm.s32 $0x1  }
0x12e: {  	s26 =	simm.s32 $0x2;
	v10 =	vmov s31  }
.LBB2_5:
0x12f: {  	p0 =	sne.s32 s26, $0x7F;
	v10 =	vand.u32 $0x7F, v10;
	[tilespmem:s25+$0x20] =	vst v9  }
0x130: {  	v10 =	vbroadcast v10, $0x0;
	v8 =	vld.idx.msk [tilespmem:v8+s12+$0x0], $0xffff;
	_ =	sdelay $0x1  }
0x131: {  	v9 =	vor.u32 v0, v10;
	_ =	sdelay $0x3  }
0x132: {  	[tilespmem:s25+$0x30] =	vst v8  }
0x133: {  	v8 =	vld.idx.msk [tilespmem:v9+s12+$0x0], $0xffff;
	_ =	sdelay $0x1  }
0x134: {  	v9 =	vor.u32 v1, v10;
	_ =	sdelay $0x2  }
0x135: {  	s25 =	sadd.s32 $0x80, s25  }
0x136: {  	[tilespmem:s25+$0xFFFFFFC0] =	vst v8  }
0x137: {  	v8 =	vld.idx.msk [tilespmem:v9+s12+$0x0], $0xffff;
	_ =	sdelay $0x1  }
0x138: {  	v9 =	vor.u32 v2, v10;
	_ =	sdelay $0x3  }
0x139: {  	[tilespmem:s25+$0xFFFFFFD0] =	vst v8  }
0x13a: {  	v8 =	vld.idx.msk [tilespmem:v9+s12+$0x0], $0xffff;
	_ =	sdelay $0x1  }
0x13b: {  	v9 =	vor.u32 v3, v10;
	_ =	sdelay $0x3  }
0x13c: {  	[tilespmem:s25+$0xFFFFFFE0] =	vst v8  }
0x13d: {  	v8 =	vld.idx.msk [tilespmem:v9+s12+$0x0], $0xffff;
	_ =	sdelay $0x1  }
0x13e: {  	v9 =	vor.u32 v4, v10;
	_ =	sdelay $0x3  }
0x13f: {  	[tilespmem:s25+$0xFFFFFFF0] =	vst v8  }
0x140: {  	v8 =	vld.idx.msk [tilespmem:v9+s12+$0x0], $0xffff;
	_ =	sdelay $0x1  }
0x141: {  	v9 =	vor.u32 v5, v10;
	_ =	sdelay $0x3  }
0x142: {  	[tilespmem:s25+$0x0] =	vst v8  }
0x143: {  	v8 =	vld.idx.msk [tilespmem:v9+s12+$0x0], $0xffff;
	_ =	sdelay $0x1  }
0x144: {  	v9 =	vor.u32 v6, v10;
	_ =	sdelay $0x3  }
0x145: {  	[tilespmem:s25+$0x10] =	vst v8  }
0x146: {  	v9 =	vld.idx.msk [tilespmem:v9+s12+$0x0], $0xffff  }
.Ltmp5:
0x147: {  	(pc) =	sbr.rel @p0 .LBB2_5-.Ltmp5, $2  }
0x148: {  	v8 =	vor.u32 v7, v10;
	_ =	sdelay $0x2  }
0x149: {  	v10 =	vmov s26;
	s26 =	sadd.s32 $0x1, s26  }
0x14a: {  	_ =	sdelay $0x1  }
0x14b: {  	v10 =	vand.u32 $0x7F, v10  }
0x14c: {  	[tilespmem:s25+$0x20] =	vst v9;
	v57 =	vbroadcast v10, $0x0  }
0x14d: {  	v8 =	vld.idx.msk [tilespmem:v8+s12+$0x0], $0xffff  }
0x14e: {  	v10 =	vor.u32 v0, v57;
	_ =	sdelay $0x3  }
0x14f: {  	[tilespmem:s25+$0x30] =	vst v8  }
0x150: {  	v8 =	vld.idx.msk [tilespmem:v10+s12+$0x0], $0xffff  }
0x151: {  	v58 =	vor.u32 v1, v57;
	_ =	sdelay $0x2  }
0x152: {  	s31 =	sadd.s32 $0x80, s25  }
0x153: {  	[tilespmem:s31+$0xFFFFFFC0] =	vst v8  }
0x154: {  	v8 =	vld.idx.msk [tilespmem:v58+s12+$0x0], $0xffff  }
0x155: {  	v59 =	vor.u32 v2, v57;
	_ =	sdelay $0x3  }
0x156: {  	[tilespmem:s31+$0xFFFFFFD0] =	vst v8  }
0x157: {  	v8 =	vld.idx.msk [tilespmem:v59+s12+$0x0], $0xffff  }
0x158: {  	v60 =	vor.u32 v3, v57;
	_ =	sdelay $0x3  }
0x159: {  	[tilespmem:s31+$0xFFFFFFE0] =	vst v8  }
0x15a: {  	v8 =	vld.idx.msk [tilespmem:v60+s12+$0x0], $0xffff  }
0x15b: {  	v61 =	vor.u32 v4, v57;
	_ =	sdelay $0x3  }
0x15c: {  	[tilespmem:s31+$0xFFFFFFF0] =	vst v8  }
0x15d: {  	v8 =	vld.idx.msk [tilespmem:v61+s12+$0x0], $0xffff  }
0x15e: {  	v62 =	vor.u32 v5, v57;
	_ =	sdelay $0x3  }
0x15f: {  	[tilespmem:s31+$0x0] =	vst v8  }
0x160: {  	v8 =	vld.idx.msk [tilespmem:v62+s12+$0x0], $0xffff  }
0x161: {  	v63 =	vor.u32 v6, v57;
	_ =	sdelay $0x3  }
0x162: {  	[tilespmem:s31+$0x10] =	vst v8  }
0x163: {  	v8 =	vld.idx.msk [tilespmem:v63+s12+$0x0], $0xffff  }
0x164: {  	v9 =	vor.u32 v7, v57;
	_ =	sdelay $0x3  }
0x165: {  	[tilespmem:s31+$0x20] =	vst v8  }
0x166: {  	s24 =	sand.u32 $0x7, s24;
	p0 =	seq.s32 s22, $0x6;
	v8 =	vld.idx.msk [tilespmem:v9+s12+$0x0], $0xffff  }
0x167: {  	s22 =	sshll.u32 @p0 s24, $0xA  }
0x168: {  	s22 =	sadd.s32 @p0 s22, s23  }
0x169: {  	s22 =	sadd.s32 @p0 $0xE0000, s22  }
0x16a: {  	s26 =	simm.s32 @p0 $0x2000;
	s28 =	simm.s32 @p0 $0xC480;
	s22 =	sshrl.u32 @p0 s22, $0x3  }
0x16b: {  	s21 =	sshll.u32 @!p0 s21, $0x11;
	s22 =	sadd.s32 @p0 s4, s22;
	s25 =	simm.s32 @p0 $0x400;
	[tilespmem:s31+$0x30] =	vst v8  }
0x16c: {  	[hbm4b:s22+s25] =	stream.strided.scatter @p0 [tilespmem:s28], [sflag:$0x2], $0x3400, s26, s25, $0x38;
	[tilespmem:$0x10480] =	vst v63  }
0x16d: {  	s21 =	sadd.s32 @!p0 s21, s23;
	s22 =	sshll.u32 @!p0 s24, $0xA  }
0x16e: {  	s21 =	sor.u32 @!p0 s22, s21  }
0x16f: {  	s23 =	simm.s32 @!p0 $0x2000;
	s21 =	sshrl.u32 @!p0 s21, $0x3  }
0x170: {  	s24 =	simm.s32 @!p0 $0xC480;
	s22 =	simm.s32 @!p0 $0x400;
	s21 =	sadd.s32 @!p0 s4, s21  }
0x171: {  	[hbm4b:s21+s22] =	stream.strided.scatter @!p0 [tilespmem:s24], [sflag:$0x2], $0x4000, s23, s22, $0x38;
	[tilespmem:$0x10480] =	vst v63  }
0x172: {  	s21 =	sadd.s32 $0x2, s20  }
0x173: {  	p1 =	seq.s32 s19, $0xC7;
	s20 =	sand.u32 $0x6, s21  }
0x174: {  	p2 =	sne.s32 @!p1 s20, $0x0  }
0x175: {  	p2 =	por p1, p2  }
.Ltmp6:
0x176: {  	_ = 	snop;
	(pc) =	sbr.rel @!p2 .LBB2_7-.Ltmp6, $4  }
0x177: {  	_ = 	snop  }
0x178: {  	_ =	swait.ge [sflag:s17], $0x4000  }
0x179: {  	[sflag:s17] =	ssyncset.done $0x0  }
0x17a: {  	[sflag:s17] =	ssyncadd.s32 $0xFFFFC000  }
.Ltmp7:
0x17b: {  	(pc) =	sbr.rel @p1 .LBB2_10-.Ltmp7, $4  }
.Ltmp8:
0x17c: {  	(pc) =	sbr.rel @!p1 .LBB2_9-.Ltmp8, $4  }
0x17d: {  	_ = 	snop  }
0x17e: {  	_ = 	snop  }
0x17f: {  	_ = 	snop  }
0x180: {  	_ = 	snop  }
.LBB2_12:
0x181: {  	_ =	sfence.sel $0x180000  }
0x182: {  	[bflag:$0x0] =	sbarrier.arrive $0xFFFF  }
0x183: {  	p0 =	sne.s32 s0, $0x0;
	_ =	strace $0x90000047  }
0x184: {  	s0 =	sadd.s32 @!p0 $0x100000, s2;
	[bflag:$0x2] =	sbarrier.arrive $0xFFFF  }
0x185: {  	[sflag:s0] =	ssyncadd.tile.s32 @!p0 $0x1;
	_ =	shalt  }
.Lfunc_end2:
_tile_overlayer_lowered:
.L_overlay_start_2:
0x186: {  	(tag) =	ssettag $0x2  }
0x187: {  	s0 =	rddreg [dreg:$0x0];
	s2 =	stileid.u32  }
0x188: {  	s1 =	rddreg [dreg:$0x1];
	p0 =	sne.s32 s2, $0x0  }
0x189: {  	s3 =	rddreg [dreg:$0x2];
	[bflag:$0x3] =	sbarrier.arrive $0xFFFF;
	s2 =	simm.s32 @!p0 $0x1C03  }
0x18a: {  	[timem:s3], [sflag:s2] =	dma.local @!p0 [hbm:s0], s1  }
0x18b: {  	s0 =	simm.s32 @!p0 $0x3  }
0x18c: {  	_ =	swait.ge @!p0 [sflag:s0], s1  }
0x18d: {  	s1 =	ssub.s32 @!p0 $0x0, s1;
	[sflag:s0] =	ssyncset.done @!p0 $0x0  }
0x18e: {  	[sflag:s0] =	ssyncadd.s32 @!p0 s1  }
0x18f: {  	[bflag:$0x3] =	sbarrier.arrive $0xFFFF  }
0x190: {  	_ =	shalt  }

</sc_bundles>
